<compile_context>
chip_gen: v7x
topology: tpu7x:2x2x1
jax: 0.10.2.dev20260603
libtpu: 0.0.44.dev20260713+nightly
codegen_flags: <defaults>
</compile_context>

<pallas_src>
import jax
import jax.numpy as jnp
from jax import lax
from jax.experimental import pallas as pl
from jax.experimental.pallas import tpu as pltpu
from jax.experimental.pallas import tpu_sc as plsc

N = 10000
D = 128
D2 = D // 2
E = 320000

NC = 2
NS = 16
NW = NC * NS
L = 128
LC = 128
U = 5
E_PAD = 327680
CH = E_PAD // (NS * L)
CHC = E_PAD // (NW * LC)
ACC_N = 10112
STRIPE = ACC_N // NS
CW = 16

_mesh = plsc.VectorSubcoreMesh(core_axis_name="c", subcore_axis_name="s")


def _segsum_body(xs_hbm, src_hbm, dst_hbm, z_hbm,
                 out_sum, src_v, dst_v, bufs, acc, gsems, ssems):
  cid = lax.axis_index("c")
  sid = lax.axis_index("s")

  pltpu.sync_copy(src_hbm.at[sid], src_v)
  pltpu.sync_copy(dst_hbm.at[sid], dst_v)
  sl = pl.ds(sid * STRIPE, STRIPE)
  pltpu.sync_copy(z_hbm.at[sl], acc.at[sl])
  plsc.subcore_barrier()

  tbl = xs_hbm.at[cid]

  def step(t, carry):
    base = U * t
    ds = [pltpu.async_copy(tbl.at[src_v.at[base + k]], bufs.at[k], gsems.at[k])
          for k in range(U)]
    for k in range(U):
      ds[k].wait()
      pltpu.sync_copy(bufs.at[k], acc.at[dst_v.at[base + k]], add=True)
    return carry

  lax.fori_loop(0, CH // U, step, 0)
  plsc.subcore_barrier()
  pltpu.sync_copy(acc.at[sl], out_sum.at[cid, sl])


_segsum = pl.kernel(
    _segsum_body,
    out_type=jax.ShapeDtypeStruct((NC, ACC_N, D2), jnp.float32),
    mesh=_mesh,
    scratch_types=[
        pltpu.VMEM((CH, L), jnp.int32),
        pltpu.VMEM((CH, L), jnp.int32),
        pltpu.VMEM((U, L, D2), jnp.float32),
        pltpu.VMEM_SHARED((ACC_N, D2), jnp.float32),
        pltpu.SemaphoreType.DMA((U,)),
        pltpu.SemaphoreType.DMA((U,)),
    ],
    compiler_params=pltpu.CompilerParams(use_tc_tiling_on_sc=False),
)


def _count_body(dst_hbm, zc_hbm, ones_hbm, out_cnt, dst_v, ones_v, cacc):
  cid = lax.axis_index("c")
  sid = lax.axis_index("s")
  tid = cid * NS + sid

  pltpu.sync_copy(dst_hbm.at[tid], dst_v)
  pltpu.sync_copy(ones_hbm, ones_v)
  sl = pl.ds(sid * STRIPE, STRIPE)
  pltpu.sync_copy(zc_hbm.at[sl], cacc.at[sl])
  plsc.subcore_barrier()

  def step(j, carry):
    pltpu.sync_copy(ones_v, cacc.at[dst_v.at[j]], add=True)
    return carry

  lax.fori_loop(0, CHC, step, 0)
  plsc.subcore_barrier()
  pltpu.sync_copy(cacc.at[sl], out_cnt.at[cid, sl])


_count = pl.kernel(
    _count_body,
    out_type=jax.ShapeDtypeStruct((NC, ACC_N, CW), jnp.float32),
    mesh=_mesh,
    scratch_types=[
        pltpu.VMEM((CHC, LC), jnp.int32),
        pltpu.VMEM((LC, CW), jnp.float32),
        pltpu.VMEM_SHARED((ACC_N, CW), jnp.float32),
    ],
    compiler_params=pltpu.CompilerParams(use_tc_tiling_on_sc=False),
)

R = 2000


def _make_combine(split_out):
  def body(p_ref, c_ref, x_ref, w_ref, b_ref, o_ref):
    s = jnp.concatenate([p_ref[0], p_ref[1]], axis=1)
    cnt = c_ref[0, :, 0:1] + c_ref[1, :, 0:1]
    agg = s / jnp.maximum(cnt, 1.0)
    xcat = jnp.concatenate([x_ref[0], x_ref[1]], axis=1)
    cat = jnp.concatenate([agg, xcat], axis=1)
    o = lax.dot_general(cat, w_ref[...], (((1,), (0,)), ((), ())),
                        preferred_element_type=jnp.float32,
                        precision=lax.Precision.HIGHEST)
    o = jnp.maximum(o + b_ref[...], 0.0)
    if split_out:
      o_ref[0] = o[:, :D2]
      o_ref[1] = o[:, D2:]
    else:
      o_ref[...] = o

  if split_out:
    out_spec = pl.BlockSpec((NC, R, D2), lambda i: (0, i, 0))
    out_shape = jax.ShapeDtypeStruct((NC, N, D2), jnp.float32)
  else:
    out_spec = pl.BlockSpec((R, D), lambda i: (i, 0))
    out_shape = jax.ShapeDtypeStruct((N, D), jnp.float32)

  return pl.pallas_call(
      body,
      grid=(N // R,),
      in_specs=[
          pl.BlockSpec((NC, R, D2), lambda i: (0, i, 0)),
          pl.BlockSpec((NC, R, CW), lambda i: (0, i, 0)),
          pl.BlockSpec((NC, R, D2), lambda i: (0, i, 0)),
          pl.BlockSpec((2 * D, D), lambda i: (0, 0)),
          pl.BlockSpec((1, D), lambda i: (0, 0)),
      ],
      out_specs=out_spec,
      out_shape=out_shape,
  )


_combine_split = _make_combine(True)
_combine_full = _make_combine(False)


def _split(h):
  return jnp.stack([h[:, :D2], h[:, D2:]], axis=0)


def kernel(x, edge_index, edge_attr, W1l, W1r, b1, W2l, W2r, b2):
  npad = E_PAD - E
  src = jnp.concatenate(
      [edge_index[0].astype(jnp.int32),
       jnp.arange(npad, dtype=jnp.int32) % N])
  dst = jnp.concatenate(
      [edge_index[1].astype(jnp.int32),
       N + (jnp.arange(npad, dtype=jnp.int32) % (ACC_N - N))])
  src_s = src.reshape(NS, CH, L)
  dst_s = dst.reshape(NS, CH, L)
  dst_c = dst.reshape(NW, CHC, LC)
  z = jnp.zeros((ACC_N, D2), jnp.float32)
  zc = jnp.zeros((ACC_N, CW), jnp.float32)
  ones = jnp.ones((LC, CW), jnp.float32)
  w1 = jnp.concatenate([W1l.T, W1r.T], axis=0)
  w2 = jnp.concatenate([W2l.T, W2r.T], axis=0)

  xs = _split(x)
  cnt = _count(dst_c, zc, ones)
  p1 = _segsum(xs, src_s, dst_s, z)
  hs1 = _combine_split(p1, cnt, xs, w1, b1.reshape(1, D))
  p2 = _segsum(hs1, src_s, dst_s, z)
  h2 = _combine_full(p2, cnt, hs1, w2, b2.reshape(1, D))
  return h2

# --- scband reference (transcript-rebuilt; emitter-appended) ---
"""Pipeline reference for scband-backbone-76398878261804 (READ-ONLY COPY).

The authoritative reference and input builder live on the scoring server;
editing this copy changes nothing except your own understanding.
"""

import jax, jax.numpy as jnp
import numpy as np

N_NODES = 10000
N_EDGES = 320000
D = 128

def setup_inputs(seed: int = 0) -> dict:
    key = jax.random.key(seed)
    ks = jax.random.split(key, 10)
    x = jax.random.normal(ks[0], (N_NODES, D), dtype=jnp.float32)
    edge_index = jax.random.randint(ks[1], (2, N_EDGES), 0, N_NODES, dtype=jnp.int64)
    edge_attr = jax.random.uniform(ks[2], (N_EDGES,), dtype=jnp.float32)
    s = 1.0 / np.sqrt(D)
    W1l = jax.random.normal(ks[3], (D, D), dtype=jnp.float32) * s
    W1r = jax.random.normal(ks[4], (D, D), dtype=jnp.float32) * s
    b1 = jnp.zeros((D,), dtype=jnp.float32)
    W2l = jax.random.normal(ks[5], (D, D), dtype=jnp.float32) * s
    W2r = jax.random.normal(ks[6], (D, D), dtype=jnp.float32) * s
    b2 = jnp.zeros((D,), dtype=jnp.float32)
    return {"x": x, "edge_index": edge_index, "edge_attr": edge_attr,
            "W1l": W1l, "W1r": W1r, "b1": b1, "W2l": W2l, "W2r": W2r, "b2": b2}

def _sage_conv(x, edge_index, Wl, Wr, b):
    # PyG SAGEConv: out = lin_l(mean_agg(x_j)) + lin_r(x)
    src = edge_index[0]
    dst = edge_index[1]
    msgs = jnp.take(x, src, axis=0)                       # gather [E, d]
    summ = jax.ops.segment_sum(msgs, dst, num_segments=N_NODES)  # scatter-add
    cnt = jax.ops.segment_sum(jnp.ones((msgs.shape[0], 1), dtype=x.dtype), dst, num_segments=N_NODES)
    agg = summ / jnp.clip(cnt, 1.0, None)
    return agg @ Wl.T + x @ Wr.T + b

def reference(x, edge_index, edge_attr, W1l, W1r, b1, W2l, W2r, b2):
    # layer 0 (SAGE ignores edge_attr); dropout in eval mode = identity
    h = _sage_conv(x, edge_index, W1l, W1r, b1)
    h = jax.nn.relu(h)
    # layer 1 (last layer: no dropout branch, relu applied after)
    h = _sage_conv(h, edge_index, W2l, W2r, b2)
    h = jax.nn.relu(h)
    return h

if __name__ == "__main__":
    import jax
    _d = setup_inputs()
    print(jax.jit(kernel)(*tuple(_d.values())))

</pallas_src>

<mosaic_0001>
#map = affine_map<(d0, d1) -> (0, 0, 0)>
#map1 = affine_map<(d0, d1) -> (0, 0)>
module attributes {stable_mosaic.version = 14 : i64} {
  func.func @_segsum_body(%arg0: i32, %arg1: i32, %arg2: memref<2x10000x64xf32, #tpu.memory_space<hbm>>, %arg3: memref<16x160x128xi32, #tpu.memory_space<hbm>>, %arg4: memref<16x160x128xi32, #tpu.memory_space<hbm>>, %arg5: memref<10112x64xf32, #tpu.memory_space<hbm>>, %arg6: memref<2x10112x64xf32, #tpu.memory_space<hbm>>, %arg7: memref<160x128xi32, #tpu.memory_space<vmem>>, %arg8: memref<160x128xi32, #tpu.memory_space<vmem>>, %arg9: memref<5x128x64xf32, #tpu.memory_space<vmem>>, %arg10: memref<10112x64xf32, #tpu.memory_space<vmem_shared>>, %arg11: memref<5x!tpu.dma_semaphore, #tpu.memory_space<semaphore_mem>>, %arg12: memref<5x!tpu.dma_semaphore, #tpu.memory_space<semaphore_mem>>) attributes {dimension_semantics = [#tpu.dimension_semantics<core_parallel>, #tpu.dimension_semantics<subcore_parallel>], iteration_bounds = array<i64: 2, 16>, scalar_prefetch = 0 : i64, scratch_operands = 6 : i64, tpu.core_type = #tpu.core_type<sc_vector_subcore>, window_params = [{transform_indices = #map}, {transform_indices = #map}, {transform_indices = #map}, {transform_indices = #map1}, {transform_indices = #map}]} {
    "tpu.region"() ({
      %run_scoped3A = tpu.sem_alloc : memref<!tpu.dma_semaphore, #tpu.memory_space<semaphore_mem>>
      %dma_start3A = arith.constant 0 : i32
      %dma_start3A_7 = arith.constant 0 : i32
      %dma_start3A_8 = tpu.memref_slice %arg3[%arg1, %dma_start3A, %dma_start3A_7] : memref<16x160x128xi32, #tpu.memory_space<hbm>> -> memref<1x160x128xi32, #tpu.memory_space<hbm>>
      %dma_start3A_9 = tpu.memref_squeeze %dma_start3A_8 : memref<1x160x128xi32, #tpu.memory_space<hbm>> -> memref<160x128xi32, #tpu.memory_space<hbm>>
      %dma_start3A_10 = arith.constant 0 : i32
      %dma_start3A_11 = arith.constant 0 : i32
      %dma_start3A_12 = tpu.memref_slice %arg3[%arg1, %dma_start3A_10, %dma_start3A_11] : memref<16x160x128xi32, #tpu.memory_space<hbm>> -> memref<1x160x128xi32, #tpu.memory_space<hbm>>
      %dma_start3A_13 = tpu.memref_squeeze %dma_start3A_12 : memref<1x160x128xi32, #tpu.memory_space<hbm>> -> memref<160x128xi32, #tpu.memory_space<hbm>>
      tpu.enqueue_dma source(%dma_start3A_13 : memref<160x128xi32, #tpu.memory_space<hbm>>) target(%arg7 : memref<160x128xi32, #tpu.memory_space<vmem>>) target_semaphore(%run_scoped3A : memref<!tpu.dma_semaphore, #tpu.memory_space<semaphore_mem>>)
      %dma_wait3A = arith.constant 0 : i32
      %dma_wait3A_14 = arith.constant 0 : i32
      %dma_wait3A_15 = tpu.memref_slice %arg3[%arg1, %dma_wait3A, %dma_wait3A_14] : memref<16x160x128xi32, #tpu.memory_space<hbm>> -> memref<1x160x128xi32, #tpu.memory_space<hbm>>
      %dma_wait3A_16 = tpu.memref_squeeze %dma_wait3A_15 : memref<1x160x128xi32, #tpu.memory_space<hbm>> -> memref<160x128xi32, #tpu.memory_space<hbm>>
      %dma_wait3A_17 = arith.constant 0 : i32
      %dma_wait3A_18 = arith.constant 0 : i32
      %dma_wait3A_19 = tpu.memref_slice %arg3[%arg1, %dma_wait3A_17, %dma_wait3A_18] : memref<16x160x128xi32, #tpu.memory_space<hbm>> -> memref<1x160x128xi32, #tpu.memory_space<hbm>>
      %dma_wait3A_20 = tpu.memref_squeeze %dma_wait3A_19 : memref<1x160x128xi32, #tpu.memory_space<hbm>> -> memref<160x128xi32, #tpu.memory_space<hbm>>
      tpu.wait_dma2 semaphore(%run_scoped3A : memref<!tpu.dma_semaphore, #tpu.memory_space<semaphore_mem>>) src(%dma_wait3A_20 : memref<160x128xi32, #tpu.memory_space<hbm>>) dst(%arg7 : memref<160x128xi32, #tpu.memory_space<vmem>>)
      tpu.yield
    }) : () -> ()
    "tpu.region"() ({
      %run_scoped3A = tpu.sem_alloc : memref<!tpu.dma_semaphore, #tpu.memory_space<semaphore_mem>>
      %dma_start3A = arith.constant 0 : i32
      %dma_start3A_7 = arith.constant 0 : i32
      %dma_start3A_8 = tpu.memref_slice %arg4[%arg1, %dma_start3A, %dma_start3A_7] : memref<16x160x128xi32, #tpu.memory_space<hbm>> -> memref<1x160x128xi32, #tpu.memory_space<hbm>>
      %dma_start3A_9 = tpu.memref_squeeze %dma_start3A_8 : memref<1x160x128xi32, #tpu.memory_space<hbm>> -> memref<160x128xi32, #tpu.memory_space<hbm>>
      %dma_start3A_10 = arith.constant 0 : i32
      %dma_start3A_11 = arith.constant 0 : i32
      %dma_start3A_12 = tpu.memref_slice %arg4[%arg1, %dma_start3A_10, %dma_start3A_11] : memref<16x160x128xi32, #tpu.memory_space<hbm>> -> memref<1x160x128xi32, #tpu.memory_space<hbm>>
      %dma_start3A_13 = tpu.memref_squeeze %dma_start3A_12 : memref<1x160x128xi32, #tpu.memory_space<hbm>> -> memref<160x128xi32, #tpu.memory_space<hbm>>
      tpu.enqueue_dma source(%dma_start3A_13 : memref<160x128xi32, #tpu.memory_space<hbm>>) target(%arg8 : memref<160x128xi32, #tpu.memory_space<vmem>>) target_semaphore(%run_scoped3A : memref<!tpu.dma_semaphore, #tpu.memory_space<semaphore_mem>>)
      %dma_wait3A = arith.constant 0 : i32
      %dma_wait3A_14 = arith.constant 0 : i32
      %dma_wait3A_15 = tpu.memref_slice %arg4[%arg1, %dma_wait3A, %dma_wait3A_14] : memref<16x160x128xi32, #tpu.memory_space<hbm>> -> memref<1x160x128xi32, #tpu.memory_space<hbm>>
      %dma_wait3A_16 = tpu.memref_squeeze %dma_wait3A_15 : memref<1x160x128xi32, #tpu.memory_space<hbm>> -> memref<160x128xi32, #tpu.memory_space<hbm>>
      %dma_wait3A_17 = arith.constant 0 : i32
      %dma_wait3A_18 = arith.constant 0 : i32
      %dma_wait3A_19 = tpu.memref_slice %arg4[%arg1, %dma_wait3A_17, %dma_wait3A_18] : memref<16x160x128xi32, #tpu.memory_space<hbm>> -> memref<1x160x128xi32, #tpu.memory_space<hbm>>
      %dma_wait3A_20 = tpu.memref_squeeze %dma_wait3A_19 : memref<1x160x128xi32, #tpu.memory_space<hbm>> -> memref<160x128xi32, #tpu.memory_space<hbm>>
      tpu.wait_dma2 semaphore(%run_scoped3A : memref<!tpu.dma_semaphore, #tpu.memory_space<semaphore_mem>>) src(%dma_wait3A_20 : memref<160x128xi32, #tpu.memory_space<hbm>>) dst(%arg8 : memref<160x128xi32, #tpu.memory_space<vmem>>)
      tpu.yield
    }) : () -> ()
    %mul3A = arith.constant 632 : i32
    %mul3A_0 = arith.muli %arg1, %mul3A : i32
    "tpu.region"() ({
      %run_scoped3A = tpu.sem_alloc : memref<!tpu.dma_semaphore, #tpu.memory_space<semaphore_mem>>
      %dma_start3A = arith.constant 0 : i32
      %dma_start3A_7 = tpu.memref_slice %arg10[%mul3A_0, %dma_start3A] : memref<10112x64xf32, #tpu.memory_space<vmem_shared>> -> memref<632x64xf32, #tpu.memory_space<vmem_shared>>
      %dma_start3A_8 = arith.constant 0 : i32
      %dma_start3A_9 = tpu.memref_slice %arg5[%mul3A_0, %dma_start3A_8] : memref<10112x64xf32, #tpu.memory_space<hbm>> -> memref<632x64xf32, #tpu.memory_space<hbm>>
      tpu.enqueue_dma source(%dma_start3A_9 : memref<632x64xf32, #tpu.memory_space<hbm>>) target(%dma_start3A_7 : memref<632x64xf32, #tpu.memory_space<vmem_shared>>) target_semaphore(%run_scoped3A : memref<!tpu.dma_semaphore, #tpu.memory_space<semaphore_mem>>)
      %dma_wait3A = arith.constant 0 : i32
      %dma_wait3A_10 = tpu.memref_slice %arg10[%mul3A_0, %dma_wait3A] : memref<10112x64xf32, #tpu.memory_space<vmem_shared>> -> memref<632x64xf32, #tpu.memory_space<vmem_shared>>
      %dma_wait3A_11 = arith.constant 0 : i32
      %dma_wait3A_12 = tpu.memref_slice %arg5[%mul3A_0, %dma_wait3A_11] : memref<10112x64xf32, #tpu.memory_space<hbm>> -> memref<632x64xf32, #tpu.memory_space<hbm>>
      tpu.wait_dma2 semaphore(%run_scoped3A : memref<!tpu.dma_semaphore, #tpu.memory_space<semaphore_mem>>) src(%dma_wait3A_12 : memref<632x64xf32, #tpu.memory_space<hbm>>) dst(%dma_wait3A_10 : memref<632x64xf32, #tpu.memory_space<vmem_shared>>)
      tpu.yield
    }) : () -> ()
    %barrier3A = arith.constant 0 : index
    tpu.barrier barrier_id(%barrier3A)
    %scan3A = arith.constant 0 : i32
    %scan3A_1 = arith.constant 0 : i32
    %scan3A_2 = arith.constant 32 : i32
    %scan3A_3 = arith.addi %scan3A_1, %scan3A_2 : i32
    %scan3A_4 = arith.constant 1 : i32
    scf.for %scan3A_7 = %scan3A_1 to %scan3A_3 step %scan3A_4  : i32 {
      %mul3A_8 = arith.constant 5 : i32
      %mul3A_9 = arith.muli %mul3A_8, %scan3A_7 : i32
      %add3A = arith.constant 0 : i32
      %add3A_10 = arith.addi %mul3A_9, %add3A : i32
      %dma_start3A = arith.constant 0 : i32
      %dma_start3A_11 = arith.constant 0 : i32
      %dma_start3A_12 = arith.constant 0 : i32
      %dma_start3A_13 = arith.constant 0 : i32
      %dma_start3A_14 = tpu.memref_slice %arg9[%dma_start3A, %dma_start3A_12, %dma_start3A_13] : memref<5x128x64xf32, #tpu.memory_space<vmem>> -> memref<1x128x64xf32, #tpu.memory_space<vmem>>
      %dma_start3A_15 = tpu.memref_squeeze %dma_start3A_14 : memref<1x128x64xf32, #tpu.memory_space<vmem>> -> memref<128x64xf32, #tpu.memory_space<vmem>>
      %dma_start3A_16 = arith.constant 0 : i32
      %dma_start3A_17 = tpu.memref_slice %arg7[%add3A_10, %dma_start3A_16] : memref<160x128xi32, #tpu.memory_space<vmem>> -> memref<1x128xi32, #tpu.memory_space<vmem>>
      %dma_start3A_18 = tpu.memref_squeeze %dma_start3A_17 : memref<1x128xi32, #tpu.memory_space<vmem>> -> memref<128xi32, #tpu.memory_space<vmem>>
      %dma_start3A_19 = arith.constant 0 : i32
      %dma_start3A_20 = arith.constant 0 : i32
      %dma_start3A_21 = tpu.memref_slice %arg2[%arg0, %dma_start3A_19, %dma_start3A_20] : memref<2x10000x64xf32, #tpu.memory_space<hbm>> -> memref<1x10000x64xf32, #tpu.memory_space<hbm>>
      %dma_start3A_22 = tpu.memref_squeeze %dma_start3A_21 : memref<1x10000x64xf32, #tpu.memory_space<hbm>> -> memref<10000x64xf32, #tpu.memory_space<hbm>>
      %dma_start3A_23 = arith.constant 0 : i32
      %dma_start3A_24 = arith.constant 0 : i32
      %dma_start3A_25 = tpu.memref_slice %dma_start3A_22[%dma_start3A_23, %dma_start3A_24] : memref<10000x64xf32, #tpu.memory_space<hbm>> -> memref<10000x64xf32, #tpu.memory_space<hbm>>
      %dma_start3A_26 = tpu.memref_slice %arg11[%dma_start3A_11] : memref<5x!tpu.dma_semaphore, #tpu.memory_space<semaphore_mem>> -> memref<1x!tpu.dma_semaphore, #tpu.memory_space<semaphore_mem>>
      %dma_start3A_27 = tpu.memref_squeeze %dma_start3A_26 : memref<1x!tpu.dma_semaphore, #tpu.memory_space<semaphore_mem>> -> memref<!tpu.dma_semaphore, #tpu.memory_space<semaphore_mem>>
      tpu.enqueue_indirect_dma source(%dma_start3A_25 : memref<10000x64xf32, #tpu.memory_space<hbm>>) target(%dma_start3A_15 : memref<128x64xf32, #tpu.memory_space<vmem>>) offsets(%dma_start3A_18 : memref<128xi32, #tpu.memory_space<vmem>>) semaphore(%dma_start3A_27 : memref<!tpu.dma_semaphore, #tpu.memory_space<semaphore_mem>>)
      %add3A_28 = arith.constant 1 : i32
      %add3A_29 = arith.addi %mul3A_9, %add3A_28 : i32
      %dma_start3A_30 = arith.constant 1 : i32
      %dma_start3A_31 = arith.constant 1 : i32
      %dma_start3A_32 = arith.constant 0 : i32
      %dma_start3A_33 = arith.constant 0 : i32
      %dma_start3A_34 = tpu.memref_slice %arg9[%dma_start3A_30, %dma_start3A_32, %dma_start3A_33] : memref<5x128x64xf32, #tpu.memory_space<vmem>> -> memref<1x128x64xf32, #tpu.memory_space<vmem>>
      %dma_start3A_35 = tpu.memref_squeeze %dma_start3A_34 : memref<1x128x64xf32, #tpu.memory_space<vmem>> -> memref<128x64xf32, #tpu.memory_space<vmem>>
      %dma_start3A_36 = arith.constant 0 : i32
      %dma_start3A_37 = tpu.memref_slice %arg7[%add3A_29, %dma_start3A_36] : memref<160x128xi32, #tpu.memory_space<vmem>> -> memref<1x128xi32, #tpu.memory_space<vmem>>
      %dma_start3A_38 = tpu.memref_squeeze %dma_start3A_37 : memref<1x128xi32, #tpu.memory_space<vmem>> -> memref<128xi32, #tpu.memory_space<vmem>>
      %dma_start3A_39 = arith.constant 0 : i32
      %dma_start3A_40 = arith.constant 0 : i32
      %dma_start3A_41 = tpu.memref_slice %arg2[%arg0, %dma_start3A_39, %dma_start3A_40] : memref<2x10000x64xf32, #tpu.memory_space<hbm>> -> memref<1x10000x64xf32, #tpu.memory_space<hbm>>
      %dma_start3A_42 = tpu.memref_squeeze %dma_start3A_41 : memref<1x10000x64xf32, #tpu.memory_space<hbm>> -> memref<10000x64xf32, #tpu.memory_space<hbm>>
      %dma_start3A_43 = arith.constant 0 : i32
      %dma_start3A_44 = arith.constant 0 : i32
      %dma_start3A_45 = tpu.memref_slice %dma_start3A_42[%dma_start3A_43, %dma_start3A_44] : memref<10000x64xf32, #tpu.memory_space<hbm>> -> memref<10000x64xf32, #tpu.memory_space<hbm>>
      %dma_start3A_46 = tpu.memref_slice %arg11[%dma_start3A_31] : memref<5x!tpu.dma_semaphore, #tpu.memory_space<semaphore_mem>> -> memref<1x!tpu.dma_semaphore, #tpu.memory_space<semaphore_mem>>
      %dma_start3A_47 = tpu.memref_squeeze %dma_start3A_46 : memref<1x!tpu.dma_semaphore, #tpu.memory_space<semaphore_mem>> -> memref<!tpu.dma_semaphore, #tpu.memory_space<semaphore_mem>>
      tpu.enqueue_indirect_dma source(%dma_start3A_45 : memref<10000x64xf32, #tpu.memory_space<hbm>>) target(%dma_start3A_35 : memref<128x64xf32, #tpu.memory_space<vmem>>) offsets(%dma_start3A_38 : memref<128xi32, #tpu.memory_space<vmem>>) semaphore(%dma_start3A_47 : memref<!tpu.dma_semaphore, #tpu.memory_space<semaphore_mem>>)
      %add3A_48 = arith.constant 2 : i32
      %add3A_49 = arith.addi %mul3A_9, %add3A_48 : i32
      %dma_start3A_50 = arith.constant 2 : i32
      %dma_start3A_51 = arith.constant 2 : i32
      %dma_start3A_52 = arith.constant 0 : i32
      %dma_start3A_53 = arith.constant 0 : i32
      %dma_start3A_54 = tpu.memref_slice %arg9[%dma_start3A_50, %dma_start3A_52, %dma_start3A_53] : memref<5x128x64xf32, #tpu.memory_space<vmem>> -> memref<1x128x64xf32, #tpu.memory_space<vmem>>
      %dma_start3A_55 = tpu.memref_squeeze %dma_start3A_54 : memref<1x128x64xf32, #tpu.memory_space<vmem>> -> memref<128x64xf32, #tpu.memory_space<vmem>>
      %dma_start3A_56 = arith.constant 0 : i32
      %dma_start3A_57 = tpu.memref_slice %arg7[%add3A_49, %dma_start3A_56] : memref<160x128xi32, #tpu.memory_space<vmem>> -> memref<1x128xi32, #tpu.memory_space<vmem>>
      %dma_start3A_58 = tpu.memref_squeeze %dma_start3A_57 : memref<1x128xi32, #tpu.memory_space<vmem>> -> memref<128xi32, #tpu.memory_space<vmem>>
      %dma_start3A_59 = arith.constant 0 : i32
      %dma_start3A_60 = arith.constant 0 : i32
      %dma_start3A_61 = tpu.memref_slice %arg2[%arg0, %dma_start3A_59, %dma_start3A_60] : memref<2x10000x64xf32, #tpu.memory_space<hbm>> -> memref<1x10000x64xf32, #tpu.memory_space<hbm>>
      %dma_start3A_62 = tpu.memref_squeeze %dma_start3A_61 : memref<1x10000x64xf32, #tpu.memory_space<hbm>> -> memref<10000x64xf32, #tpu.memory_space<hbm>>
      %dma_start3A_63 = arith.constant 0 : i32
      %dma_start3A_64 = arith.constant 0 : i32
      %dma_start3A_65 = tpu.memref_slice %dma_start3A_62[%dma_start3A_63, %dma_start3A_64] : memref<10000x64xf32, #tpu.memory_space<hbm>> -> memref<10000x64xf32, #tpu.memory_space<hbm>>
      %dma_start3A_66 = tpu.memref_slice %arg11[%dma_start3A_51] : memref<5x!tpu.dma_semaphore, #tpu.memory_space<semaphore_mem>> -> memref<1x!tpu.dma_semaphore, #tpu.memory_space<semaphore_mem>>
      %dma_start3A_67 = tpu.memref_squeeze %dma_start3A_66 : memref<1x!tpu.dma_semaphore, #tpu.memory_space<semaphore_mem>> -> memref<!tpu.dma_semaphore, #tpu.memory_space<semaphore_mem>>
      tpu.enqueue_indirect_dma source(%dma_start3A_65 : memref<10000x64xf32, #tpu.memory_space<hbm>>) target(%dma_start3A_55 : memref<128x64xf32, #tpu.memory_space<vmem>>) offsets(%dma_start3A_58 : memref<128xi32, #tpu.memory_space<vmem>>) semaphore(%dma_start3A_67 : memref<!tpu.dma_semaphore, #tpu.memory_space<semaphore_mem>>)
      %add3A_68 = arith.constant 3 : i32
      %add3A_69 = arith.addi %mul3A_9, %add3A_68 : i32
      %dma_start3A_70 = arith.constant 3 : i32
      %dma_start3A_71 = arith.constant 3 : i32
      %dma_start3A_72 = arith.constant 0 : i32
      %dma_start3A_73 = arith.constant 0 : i32
      %dma_start3A_74 = tpu.memref_slice %arg9[%dma_start3A_70, %dma_start3A_72, %dma_start3A_73] : memref<5x128x64xf32, #tpu.memory_space<vmem>> -> memref<1x128x64xf32, #tpu.memory_space<vmem>>
      %dma_start3A_75 = tpu.memref_squeeze %dma_start3A_74 : memref<1x128x64xf32, #tpu.memory_space<vmem>> -> memref<128x64xf32, #tpu.memory_space<vmem>>
      %dma_start3A_76 = arith.constant 0 : i32
      %dma_start3A_77 = tpu.memref_slice %arg7[%add3A_69, %dma_start3A_76] : memref<160x128xi32, #tpu.memory_space<vmem>> -> memref<1x128xi32, #tpu.memory_space<vmem>>
      %dma_start3A_78 = tpu.memref_squeeze %dma_start3A_77 : memref<1x128xi32, #tpu.memory_space<vmem>> -> memref<128xi32, #tpu.memory_space<vmem>>
      %dma_start3A_79 = arith.constant 0 : i32
      %dma_start3A_80 = arith.constant 0 : i32
      %dma_start3A_81 = tpu.memref_slice %arg2[%arg0, %dma_start3A_79, %dma_start3A_80] : memref<2x10000x64xf32, #tpu.memory_space<hbm>> -> memref<1x10000x64xf32, #tpu.memory_space<hbm>>
      %dma_start3A_82 = tpu.memref_squeeze %dma_start3A_81 : memref<1x10000x64xf32, #tpu.memory_space<hbm>> -> memref<10000x64xf32, #tpu.memory_space<hbm>>
      %dma_start3A_83 = arith.constant 0 : i32
      %dma_start3A_84 = arith.constant 0 : i32
      %dma_start3A_85 = tpu.memref_slice %dma_start3A_82[%dma_start3A_83, %dma_start3A_84] : memref<10000x64xf32, #tpu.memory_space<hbm>> -> memref<10000x64xf32, #tpu.memory_space<hbm>>
      %dma_start3A_86 = tpu.memref_slice %arg11[%dma_start3A_71] : memref<5x!tpu.dma_semaphore, #tpu.memory_space<semaphore_mem>> -> memref<1x!tpu.dma_semaphore, #tpu.memory_space<semaphore_mem>>
      %dma_start3A_87 = tpu.memref_squeeze %dma_start3A_86 : memref<1x!tpu.dma_semaphore, #tpu.memory_space<semaphore_mem>> -> memref<!tpu.dma_semaphore, #tpu.memory_space<semaphore_mem>>
      tpu.enqueue_indirect_dma source(%dma_start3A_85 : memref<10000x64xf32, #tpu.memory_space<hbm>>) target(%dma_start3A_75 : memref<128x64xf32, #tpu.memory_space<vmem>>) offsets(%dma_start3A_78 : memref<128xi32, #tpu.memory_space<vmem>>) semaphore(%dma_start3A_87 : memref<!tpu.dma_semaphore, #tpu.memory_space<semaphore_mem>>)
      %add3A_88 = arith.constant 4 : i32
      %add3A_89 = arith.addi %mul3A_9, %add3A_88 : i32
      %dma_start3A_90 = arith.constant 4 : i32
      %dma_start3A_91 = arith.constant 4 : i32
      %dma_start3A_92 = arith.constant 0 : i32
      %dma_start3A_93 = arith.constant 0 : i32
      %dma_start3A_94 = tpu.memref_slice %arg9[%dma_start3A_90, %dma_start3A_92, %dma_start3A_93] : memref<5x128x64xf32, #tpu.memory_space<vmem>> -> memref<1x128x64xf32, #tpu.memory_space<vmem>>
      %dma_start3A_95 = tpu.memref_squeeze %dma_start3A_94 : memref<1x128x64xf32, #tpu.memory_space<vmem>> -> memref<128x64xf32, #tpu.memory_space<vmem>>
      %dma_start3A_96 = arith.constant 0 : i32
      %dma_start3A_97 = tpu.memref_slice %arg7[%add3A_89, %dma_start3A_96] : memref<160x128xi32, #tpu.memory_space<vmem>> -> memref<1x128xi32, #tpu.memory_space<vmem>>
      %dma_start3A_98 = tpu.memref_squeeze %dma_start3A_97 : memref<1x128xi32, #tpu.memory_space<vmem>> -> memref<128xi32, #tpu.memory_space<vmem>>
      %dma_start3A_99 = arith.constant 0 : i32
      %dma_start3A_100 = arith.constant 0 : i32
      %dma_start3A_101 = tpu.memref_slice %arg2[%arg0, %dma_start3A_99, %dma_start3A_100] : memref<2x10000x64xf32, #tpu.memory_space<hbm>> -> memref<1x10000x64xf32, #tpu.memory_space<hbm>>
      %dma_start3A_102 = tpu.memref_squeeze %dma_start3A_101 : memref<1x10000x64xf32, #tpu.memory_space<hbm>> -> memref<10000x64xf32, #tpu.memory_space<hbm>>
      %dma_start3A_103 = arith.constant 0 : i32
      %dma_start3A_104 = arith.constant 0 : i32
      %dma_start3A_105 = tpu.memref_slice %dma_start3A_102[%dma_start3A_103, %dma_start3A_104] : memref<10000x64xf32, #tpu.memory_space<hbm>> -> memref<10000x64xf32, #tpu.memory_space<hbm>>
      %dma_start3A_106 = tpu.memref_slice %arg11[%dma_start3A_91] : memref<5x!tpu.dma_semaphore, #tpu.memory_space<semaphore_mem>> -> memref<1x!tpu.dma_semaphore, #tpu.memory_space<semaphore_mem>>
      %dma_start3A_107 = tpu.memref_squeeze %dma_start3A_106 : memref<1x!tpu.dma_semaphore, #tpu.memory_space<semaphore_mem>> -> memref<!tpu.dma_semaphore, #tpu.memory_space<semaphore_mem>>
      tpu.enqueue_indirect_dma source(%dma_start3A_105 : memref<10000x64xf32, #tpu.memory_space<hbm>>) target(%dma_start3A_95 : memref<128x64xf32, #tpu.memory_space<vmem>>) offsets(%dma_start3A_98 : memref<128xi32, #tpu.memory_space<vmem>>) semaphore(%dma_start3A_107 : memref<!tpu.dma_semaphore, #tpu.memory_space<semaphore_mem>>)
      %dma_wait3A = arith.constant 0 : i32
      %dma_wait3A_108 = arith.constant 0 : i32
      %dma_wait3A_109 = arith.constant 0 : i32
      %dma_wait3A_110 = arith.constant 0 : i32
      %dma_wait3A_111 = tpu.memref_slice %arg9[%dma_wait3A, %dma_wait3A_109, %dma_wait3A_110] : memref<5x128x64xf32, #tpu.memory_space<vmem>> -> memref<1x128x64xf32, #tpu.memory_space<vmem>>
      %dma_wait3A_112 = tpu.memref_squeeze %dma_wait3A_111 : memref<1x128x64xf32, #tpu.memory_space<vmem>> -> memref<128x64xf32, #tpu.memory_space<vmem>>
      %dma_wait3A_113 = arith.constant 0 : i32
      %dma_wait3A_114 = tpu.memref_slice %arg7[%add3A_10, %dma_wait3A_113] : memref<160x128xi32, #tpu.memory_space<vmem>> -> memref<1x128xi32, #tpu.memory_space<vmem>>
      %dma_wait3A_115 = tpu.memref_squeeze %dma_wait3A_114 : memref<1x128xi32, #tpu.memory_space<vmem>> -> memref<128xi32, #tpu.memory_space<vmem>>
      %dma_wait3A_116 = arith.constant 0 : i32
      %dma_wait3A_117 = arith.constant 0 : i32
      %dma_wait3A_118 = tpu.memref_slice %arg2[%arg0, %dma_wait3A_116, %dma_wait3A_117] : memref<2x10000x64xf32, #tpu.memory_space<hbm>> -> memref<1x10000x64xf32, #tpu.memory_space<hbm>>
      %dma_wait3A_119 = tpu.memref_squeeze %dma_wait3A_118 : memref<1x10000x64xf32, #tpu.memory_space<hbm>> -> memref<10000x64xf32, #tpu.memory_space<hbm>>
      %dma_wait3A_120 = arith.constant 0 : i32
      %dma_wait3A_121 = arith.constant 0 : i32
      %dma_wait3A_122 = tpu.memref_slice %dma_wait3A_119[%dma_wait3A_120, %dma_wait3A_121] : memref<10000x64xf32, #tpu.memory_space<hbm>> -> memref<10000x64xf32, #tpu.memory_space<hbm>>
      %dma_wait3A_123 = tpu.memref_slice %arg11[%dma_wait3A_108] : memref<5x!tpu.dma_semaphore, #tpu.memory_space<semaphore_mem>> -> memref<1x!tpu.dma_semaphore, #tpu.memory_space<semaphore_mem>>
      %dma_wait3A_124 = tpu.memref_squeeze %dma_wait3A_123 : memref<1x!tpu.dma_semaphore, #tpu.memory_space<semaphore_mem>> -> memref<!tpu.dma_semaphore, #tpu.memory_space<semaphore_mem>>
      tpu.wait_indirect_dma semaphore(%dma_wait3A_124 : memref<!tpu.dma_semaphore, #tpu.memory_space<semaphore_mem>>) src(%dma_wait3A_122 : memref<10000x64xf32, #tpu.memory_space<hbm>>) dst(%dma_wait3A_112 : memref<128x64xf32, #tpu.memory_space<vmem>>)
      %add3A_125 = arith.constant 0 : i32
      %add3A_126 = arith.addi %mul3A_9, %add3A_125 : i32
      %run_scoped3A = arith.constant 0 : i32
      "tpu.region"() ({
        %run_scoped3A_211 = tpu.sem_alloc : memref<!tpu.dma_semaphore, #tpu.memory_space<semaphore_mem>>
        %dma_start3A_212 = arith.constant 0 : i32
        %dma_start3A_213 = arith.constant 0 : i32
        %dma_start3A_214 = tpu.memref_slice %arg9[%run_scoped3A, %dma_start3A_212, %dma_start3A_213] : memref<5x128x64xf32, #tpu.memory_space<vmem>> -> memref<1x128x64xf32, #tpu.memory_space<vmem>>
        %dma_start3A_215 = tpu.memref_squeeze %dma_start3A_214 : memref<1x128x64xf32, #tpu.memory_space<vmem>> -> memref<128x64xf32, #tpu.memory_space<vmem>>
        %dma_start3A_216 = arith.constant 0 : i32
        %dma_start3A_217 = tpu.memref_slice %arg8[%add3A_126, %dma_start3A_216] : memref<160x128xi32, #tpu.memory_space<vmem>> -> memref<1x128xi32, #tpu.memory_space<vmem>>
        %dma_start3A_218 = tpu.memref_squeeze %dma_start3A_217 : memref<1x128xi32, #tpu.memory_space<vmem>> -> memref<128xi32, #tpu.memory_space<vmem>>
        %dma_start3A_219 = arith.constant 0 : i32
        %dma_start3A_220 = arith.constant 0 : i32
        %dma_start3A_221 = tpu.memref_slice %arg10[%dma_start3A_219, %dma_start3A_220] : memref<10112x64xf32, #tpu.memory_space<vmem_shared>> -> memref<10112x64xf32, #tpu.memory_space<vmem_shared>>
        tpu.enqueue_indirect_dma source(%dma_start3A_215 : memref<128x64xf32, #tpu.memory_space<vmem>>) target(%dma_start3A_221 : memref<10112x64xf32, #tpu.memory_space<vmem_shared>>) offsets(%dma_start3A_218 : memref<128xi32, #tpu.memory_space<vmem>>) semaphore(%run_scoped3A_211 : memref<!tpu.dma_semaphore, #tpu.memory_space<semaphore_mem>>) {add = true}
        %dma_wait3A_222 = arith.constant 0 : i32
        %dma_wait3A_223 = arith.constant 0 : i32
        %dma_wait3A_224 = tpu.memref_slice %arg9[%run_scoped3A, %dma_wait3A_222, %dma_wait3A_223] : memref<5x128x64xf32, #tpu.memory_space<vmem>> -> memref<1x128x64xf32, #tpu.memory_space<vmem>>
        %dma_wait3A_225 = tpu.memref_squeeze %dma_wait3A_224 : memref<1x128x64xf32, #tpu.memory_space<vmem>> -> memref<128x64xf32, #tpu.memory_space<vmem>>
        %dma_wait3A_226 = arith.constant 0 : i32
        %dma_wait3A_227 = tpu.memref_slice %arg8[%add3A_126, %dma_wait3A_226] : memref<160x128xi32, #tpu.memory_space<vmem>> -> memref<1x128xi32, #tpu.memory_space<vmem>>
        %dma_wait3A_228 = tpu.memref_squeeze %dma_wait3A_227 : memref<1x128xi32, #tpu.memory_space<vmem>> -> memref<128xi32, #tpu.memory_space<vmem>>
        %dma_wait3A_229 = arith.constant 0 : i32
        %dma_wait3A_230 = arith.constant 0 : i32
        %dma_wait3A_231 = tpu.memref_slice %arg10[%dma_wait3A_229, %dma_wait3A_230] : memref<10112x64xf32, #tpu.memory_space<vmem_shared>> -> memref<10112x64xf32, #tpu.memory_space<vmem_shared>>
        tpu.wait_indirect_dma semaphore(%run_scoped3A_211 : memref<!tpu.dma_semaphore, #tpu.memory_space<semaphore_mem>>) src(%dma_wait3A_225 : memref<128x64xf32, #tpu.memory_space<vmem>>) dst(%dma_wait3A_231 : memref<10112x64xf32, #tpu.memory_space<vmem_shared>>)
        tpu.yield
      }) : () -> ()
      %dma_wait3A_127 = arith.constant 1 : i32
      %dma_wait3A_128 = arith.constant 1 : i32
      %dma_wait3A_129 = arith.constant 0 : i32
      %dma_wait3A_130 = arith.constant 0 : i32
      %dma_wait3A_131 = tpu.memref_slice %arg9[%dma_wait3A_127, %dma_wait3A_129, %dma_wait3A_130] : memref<5x128x64xf32, #tpu.memory_space<vmem>> -> memref<1x128x64xf32, #tpu.memory_space<vmem>>
      %dma_wait3A_132 = tpu.memref_squeeze %dma_wait3A_131 : memref<1x128x64xf32, #tpu.memory_space<vmem>> -> memref<128x64xf32, #tpu.memory_space<vmem>>
      %dma_wait3A_133 = arith.constant 0 : i32
      %dma_wait3A_134 = tpu.memref_slice %arg7[%add3A_29, %dma_wait3A_133] : memref<160x128xi32, #tpu.memory_space<vmem>> -> memref<1x128xi32, #tpu.memory_space<vmem>>
      %dma_wait3A_135 = tpu.memref_squeeze %dma_wait3A_134 : memref<1x128xi32, #tpu.memory_space<vmem>> -> memref<128xi32, #tpu.memory_space<vmem>>
      %dma_wait3A_136 = arith.constant 0 : i32
      %dma_wait3A_137 = arith.constant 0 : i32
      %dma_wait3A_138 = tpu.memref_slice %arg2[%arg0, %dma_wait3A_136, %dma_wait3A_137] : memref<2x10000x64xf32, #tpu.memory_space<hbm>> -> memref<1x10000x64xf32, #tpu.memory_space<hbm>>
      %dma_wait3A_139 = tpu.memref_squeeze %dma_wait3A_138 : memref<1x10000x64xf32, #tpu.memory_space<hbm>> -> memref<10000x64xf32, #tpu.memory_space<hbm>>
      %dma_wait3A_140 = arith.constant 0 : i32
      %dma_wait3A_141 = arith.constant 0 : i32
      %dma_wait3A_142 = tpu.memref_slice %dma_wait3A_139[%dma_wait3A_140, %dma_wait3A_141] : memref<10000x64xf32, #tpu.memory_space<hbm>> -> memref<10000x64xf32, #tpu.memory_space<hbm>>
      %dma_wait3A_143 = tpu.memref_slice %arg11[%dma_wait3A_128] : memref<5x!tpu.dma_semaphore, #tpu.memory_space<semaphore_mem>> -> memref<1x!tpu.dma_semaphore, #tpu.memory_space<semaphore_mem>>
      %dma_wait3A_144 = tpu.memref_squeeze %dma_wait3A_143 : memref<1x!tpu.dma_semaphore, #tpu.memory_space<semaphore_mem>> -> memref<!tpu.dma_semaphore, #tpu.memory_space<semaphore_mem>>
      tpu.wait_indirect_dma semaphore(%dma_wait3A_144 : memref<!tpu.dma_semaphore, #tpu.memory_space<semaphore_mem>>) src(%dma_wait3A_142 : memref<10000x64xf32, #tpu.memory_space<hbm>>) dst(%dma_wait3A_132 : memref<128x64xf32, #tpu.memory_space<vmem>>)
      %add3A_145 = arith.constant 1 : i32
      %add3A_146 = arith.addi %mul3A_9, %add3A_145 : i32
      %run_scoped3A_147 = arith.constant 1 : i32
      "tpu.region"() ({
        %run_scoped3A_211 = tpu.sem_alloc : memref<!tpu.dma_semaphore, #tpu.memory_space<semaphore_mem>>
        %dma_start3A_212 = arith.constant 0 : i32
        %dma_start3A_213 = arith.constant 0 : i32
        %dma_start3A_214 = tpu.memref_slice %arg9[%run_scoped3A_147, %dma_start3A_212, %dma_start3A_213] : memref<5x128x64xf32, #tpu.memory_space<vmem>> -> memref<1x128x64xf32, #tpu.memory_space<vmem>>
        %dma_start3A_215 = tpu.memref_squeeze %dma_start3A_214 : memref<1x128x64xf32, #tpu.memory_space<vmem>> -> memref<128x64xf32, #tpu.memory_space<vmem>>
        %dma_start3A_216 = arith.constant 0 : i32
        %dma_start3A_217 = tpu.memref_slice %arg8[%add3A_146, %dma_start3A_216] : memref<160x128xi32, #tpu.memory_space<vmem>> -> memref<1x128xi32, #tpu.memory_space<vmem>>
        %dma_start3A_218 = tpu.memref_squeeze %dma_start3A_217 : memref<1x128xi32, #tpu.memory_space<vmem>> -> memref<128xi32, #tpu.memory_space<vmem>>
        %dma_start3A_219 = arith.constant 0 : i32
        %dma_start3A_220 = arith.constant 0 : i32
        %dma_start3A_221 = tpu.memref_slice %arg10[%dma_start3A_219, %dma_start3A_220] : memref<10112x64xf32, #tpu.memory_space<vmem_shared>> -> memref<10112x64xf32, #tpu.memory_space<vmem_shared>>
        tpu.enqueue_indirect_dma source(%dma_start3A_215 : memref<128x64xf32, #tpu.memory_space<vmem>>) target(%dma_start3A_221 : memref<10112x64xf32, #tpu.memory_space<vmem_shared>>) offsets(%dma_start3A_218 : memref<128xi32, #tpu.memory_space<vmem>>) semaphore(%run_scoped3A_211 : memref<!tpu.dma_semaphore, #tpu.memory_space<semaphore_mem>>) {add = true}
        %dma_wait3A_222 = arith.constant 0 : i32
        %dma_wait3A_223 = arith.constant 0 : i32
        %dma_wait3A_224 = tpu.memref_slice %arg9[%run_scoped3A_147, %dma_wait3A_222, %dma_wait3A_223] : memref<5x128x64xf32, #tpu.memory_space<vmem>> -> memref<1x128x64xf32, #tpu.memory_space<vmem>>
        %dma_wait3A_225 = tpu.memref_squeeze %dma_wait3A_224 : memref<1x128x64xf32, #tpu.memory_space<vmem>> -> memref<128x64xf32, #tpu.memory_space<vmem>>
        %dma_wait3A_226 = arith.constant 0 : i32
        %dma_wait3A_227 = tpu.memref_slice %arg8[%add3A_146, %dma_wait3A_226] : memref<160x128xi32, #tpu.memory_space<vmem>> -> memref<1x128xi32, #tpu.memory_space<vmem>>
        %dma_wait3A_228 = tpu.memref_squeeze %dma_wait3A_227 : memref<1x128xi32, #tpu.memory_space<vmem>> -> memref<128xi32, #tpu.memory_space<vmem>>
        %dma_wait3A_229 = arith.constant 0 : i32
        %dma_wait3A_230 = arith.constant 0 : i32
        %dma_wait3A_231 = tpu.memref_slice %arg10[%dma_wait3A_229, %dma_wait3A_230] : memref<10112x64xf32, #tpu.memory_space<vmem_shared>> -> memref<10112x64xf32, #tpu.memory_space<vmem_shared>>
        tpu.wait_indirect_dma semaphore(%run_scoped3A_211 : memref<!tpu.dma_semaphore, #tpu.memory_space<semaphore_mem>>) src(%dma_wait3A_225 : memref<128x64xf32, #tpu.memory_space<vmem>>) dst(%dma_wait3A_231 : memref<10112x64xf32, #tpu.memory_space<vmem_shared>>)
        tpu.yield
      }) : () -> ()
      %dma_wait3A_148 = arith.constant 2 : i32
      %dma_wait3A_149 = arith.constant 2 : i32
      %dma_wait3A_150 = arith.constant 0 : i32
      %dma_wait3A_151 = arith.constant 0 : i32
      %dma_wait3A_152 = tpu.memref_slice %arg9[%dma_wait3A_148, %dma_wait3A_150, %dma_wait3A_151] : memref<5x128x64xf32, #tpu.memory_space<vmem>> -> memref<1x128x64xf32, #tpu.memory_space<vmem>>
      %dma_wait3A_153 = tpu.memref_squeeze %dma_wait3A_152 : memref<1x128x64xf32, #tpu.memory_space<vmem>> -> memref<128x64xf32, #tpu.memory_space<vmem>>
      %dma_wait3A_154 = arith.constant 0 : i32
      %dma_wait3A_155 = tpu.memref_slice %arg7[%add3A_49, %dma_wait3A_154] : memref<160x128xi32, #tpu.memory_space<vmem>> -> memref<1x128xi32, #tpu.memory_space<vmem>>
      %dma_wait3A_156 = tpu.memref_squeeze %dma_wait3A_155 : memref<1x128xi32, #tpu.memory_space<vmem>> -> memref<128xi32, #tpu.memory_space<vmem>>
      %dma_wait3A_157 = arith.constant 0 : i32
      %dma_wait3A_158 = arith.constant 0 : i32
      %dma_wait3A_159 = tpu.memref_slice %arg2[%arg0, %dma_wait3A_157, %dma_wait3A_158] : memref<2x10000x64xf32, #tpu.memory_space<hbm>> -> memref<1x10000x64xf32, #tpu.memory_space<hbm>>
      %dma_wait3A_160 = tpu.memref_squeeze %dma_wait3A_159 : memref<1x10000x64xf32, #tpu.memory_space<hbm>> -> memref<10000x64xf32, #tpu.memory_space<hbm>>
      %dma_wait3A_161 = arith.constant 0 : i32
      %dma_wait3A_162 = arith.constant 0 : i32
      %dma_wait3A_163 = tpu.memref_slice %dma_wait3A_160[%dma_wait3A_161, %dma_wait3A_162] : memref<10000x64xf32, #tpu.memory_space<hbm>> -> memref<10000x64xf32, #tpu.memory_space<hbm>>
      %dma_wait3A_164 = tpu.memref_slice %arg11[%dma_wait3A_149] : memref<5x!tpu.dma_semaphore, #tpu.memory_space<semaphore_mem>> -> memref<1x!tpu.dma_semaphore, #tpu.memory_space<semaphore_mem>>
      %dma_wait3A_165 = tpu.memref_squeeze %dma_wait3A_164 : memref<1x!tpu.dma_semaphore, #tpu.memory_space<semaphore_mem>> -> memref<!tpu.dma_semaphore, #tpu.memory_space<semaphore_mem>>
      tpu.wait_indirect_dma semaphore(%dma_wait3A_165 : memref<!tpu.dma_semaphore, #tpu.memory_space<semaphore_mem>>) src(%dma_wait3A_163 : memref<10000x64xf32, #tpu.memory_space<hbm>>) dst(%dma_wait3A_153 : memref<128x64xf32, #tpu.memory_space<vmem>>)
      %add3A_166 = arith.constant 2 : i32
      %add3A_167 = arith.addi %mul3A_9, %add3A_166 : i32
      %run_scoped3A_168 = arith.constant 2 : i32
      "tpu.region"() ({
        %run_scoped3A_211 = tpu.sem_alloc : memref<!tpu.dma_semaphore, #tpu.memory_space<semaphore_mem>>
        %dma_start3A_212 = arith.constant 0 : i32
        %dma_start3A_213 = arith.constant 0 : i32
        %dma_start3A_214 = tpu.memref_slice %arg9[%run_scoped3A_168, %dma_start3A_212, %dma_start3A_213] : memref<5x128x64xf32, #tpu.memory_space<vmem>> -> memref<1x128x64xf32, #tpu.memory_space<vmem>>
        %dma_start3A_215 = tpu.memref_squeeze %dma_start3A_214 : memref<1x128x64xf32, #tpu.memory_space<vmem>> -> memref<128x64xf32, #tpu.memory_space<vmem>>
        %dma_start3A_216 = arith.constant 0 : i32
        %dma_start3A_217 = tpu.memref_slice %arg8[%add3A_167, %dma_start3A_216] : memref<160x128xi32, #tpu.memory_space<vmem>> -> memref<1x128xi32, #tpu.memory_space<vmem>>
        %dma_start3A_218 = tpu.memref_squeeze %dma_start3A_217 : memref<1x128xi32, #tpu.memory_space<vmem>> -> memref<128xi32, #tpu.memory_space<vmem>>
        %dma_start3A_219 = arith.constant 0 : i32
        %dma_start3A_220 = arith.constant 0 : i32
        %dma_start3A_221 = tpu.memref_slice %arg10[%dma_start3A_219, %dma_start3A_220] : memref<10112x64xf32, #tpu.memory_space<vmem_shared>> -> memref<10112x64xf32, #tpu.memory_space<vmem_shared>>
        tpu.enqueue_indirect_dma source(%dma_start3A_215 : memref<128x64xf32, #tpu.memory_space<vmem>>) target(%dma_start3A_221 : memref<10112x64xf32, #tpu.memory_space<vmem_shared>>) offsets(%dma_start3A_218 : memref<128xi32, #tpu.memory_space<vmem>>) semaphore(%run_scoped3A_211 : memref<!tpu.dma_semaphore, #tpu.memory_space<semaphore_mem>>) {add = true}
        %dma_wait3A_222 = arith.constant 0 : i32
        %dma_wait3A_223 = arith.constant 0 : i32
        %dma_wait3A_224 = tpu.memref_slice %arg9[%run_scoped3A_168, %dma_wait3A_222, %dma_wait3A_223] : memref<5x128x64xf32, #tpu.memory_space<vmem>> -> memref<1x128x64xf32, #tpu.memory_space<vmem>>
        %dma_wait3A_225 = tpu.memref_squeeze %dma_wait3A_224 : memref<1x128x64xf32, #tpu.memory_space<vmem>> -> memref<128x64xf32, #tpu.memory_space<vmem>>
        %dma_wait3A_226 = arith.constant 0 : i32
        %dma_wait3A_227 = tpu.memref_slice %arg8[%add3A_167, %dma_wait3A_226] : memref<160x128xi32, #tpu.memory_space<vmem>> -> memref<1x128xi32, #tpu.memory_space<vmem>>
        %dma_wait3A_228 = tpu.memref_squeeze %dma_wait3A_227 : memref<1x128xi32, #tpu.memory_space<vmem>> -> memref<128xi32, #tpu.memory_space<vmem>>
        %dma_wait3A_229 = arith.constant 0 : i32
        %dma_wait3A_230 = arith.constant 0 : i32
        %dma_wait3A_231 = tpu.memref_slice %arg10[%dma_wait3A_229, %dma_wait3A_230] : memref<10112x64xf32, #tpu.memory_space<vmem_shared>> -> memref<10112x64xf32, #tpu.memory_space<vmem_shared>>
        tpu.wait_indirect_dma semaphore(%run_scoped3A_211 : memref<!tpu.dma_semaphore, #tpu.memory_space<semaphore_mem>>) src(%dma_wait3A_225 : memref<128x64xf32, #tpu.memory_space<vmem>>) dst(%dma_wait3A_231 : memref<10112x64xf32, #tpu.memory_space<vmem_shared>>)
        tpu.yield
      }) : () -> ()
      %dma_wait3A_169 = arith.constant 3 : i32
      %dma_wait3A_170 = arith.constant 3 : i32
      %dma_wait3A_171 = arith.constant 0 : i32
      %dma_wait3A_172 = arith.constant 0 : i32
      %dma_wait3A_173 = tpu.memref_slice %arg9[%dma_wait3A_169, %dma_wait3A_171, %dma_wait3A_172] : memref<5x128x64xf32, #tpu.memory_space<vmem>> -> memref<1x128x64xf32, #tpu.memory_space<vmem>>
      %dma_wait3A_174 = tpu.memref_squeeze %dma_wait3A_173 : memref<1x128x64xf32, #tpu.memory_space<vmem>> -> memref<128x64xf32, #tpu.memory_space<vmem>>
      %dma_wait3A_175 = arith.constant 0 : i32
      %dma_wait3A_176 = tpu.memref_slice %arg7[%add3A_69, %dma_wait3A_175] : memref<160x128xi32, #tpu.memory_space<vmem>> -> memref<1x128xi32, #tpu.memory_space<vmem>>
      %dma_wait3A_177 = tpu.memref_squeeze %dma_wait3A_176 : memref<1x128xi32, #tpu.memory_space<vmem>> -> memref<128xi32, #tpu.memory_space<vmem>>
      %dma_wait3A_178 = arith.constant 0 : i32
      %dma_wait3A_179 = arith.constant 0 : i32
      %dma_wait3A_180 = tpu.memref_slice %arg2[%arg0, %dma_wait3A_178, %dma_wait3A_179] : memref<2x10000x64xf32, #tpu.memory_space<hbm>> -> memref<1x10000x64xf32, #tpu.memory_space<hbm>>
      %dma_wait3A_181 = tpu.memref_squeeze %dma_wait3A_180 : memref<1x10000x64xf32, #tpu.memory_space<hbm>> -> memref<10000x64xf32, #tpu.memory_space<hbm>>
      %dma_wait3A_182 = arith.constant 0 : i32
      %dma_wait3A_183 = arith.constant 0 : i32
      %dma_wait3A_184 = tpu.memref_slice %dma_wait3A_181[%dma_wait3A_182, %dma_wait3A_183] : memref<10000x64xf32, #tpu.memory_space<hbm>> -> memref<10000x64xf32, #tpu.memory_space<hbm>>
      %dma_wait3A_185 = tpu.memref_slice %arg11[%dma_wait3A_170] : memref<5x!tpu.dma_semaphore, #tpu.memory_space<semaphore_mem>> -> memref<1x!tpu.dma_semaphore, #tpu.memory_space<semaphore_mem>>
      %dma_wait3A_186 = tpu.memref_squeeze %dma_wait3A_185 : memref<1x!tpu.dma_semaphore, #tpu.memory_space<semaphore_mem>> -> memref<!tpu.dma_semaphore, #tpu.memory_space<semaphore_mem>>
      tpu.wait_indirect_dma semaphore(%dma_wait3A_186 : memref<!tpu.dma_semaphore, #tpu.memory_space<semaphore_mem>>) src(%dma_wait3A_184 : memref<10000x64xf32, #tpu.memory_space<hbm>>) dst(%dma_wait3A_174 : memref<128x64xf32, #tpu.memory_space<vmem>>)
      %add3A_187 = arith.constant 3 : i32
      %add3A_188 = arith.addi %mul3A_9, %add3A_187 : i32
      %run_scoped3A_189 = arith.constant 3 : i32
      "tpu.region"() ({
        %run_scoped3A_211 = tpu.sem_alloc : memref<!tpu.dma_semaphore, #tpu.memory_space<semaphore_mem>>
        %dma_start3A_212 = arith.constant 0 : i32
        %dma_start3A_213 = arith.constant 0 : i32
        %dma_start3A_214 = tpu.memref_slice %arg9[%run_scoped3A_189, %dma_start3A_212, %dma_start3A_213] : memref<5x128x64xf32, #tpu.memory_space<vmem>> -> memref<1x128x64xf32, #tpu.memory_space<vmem>>
        %dma_start3A_215 = tpu.memref_squeeze %dma_start3A_214 : memref<1x128x64xf32, #tpu.memory_space<vmem>> -> memref<128x64xf32, #tpu.memory_space<vmem>>
        %dma_start3A_216 = arith.constant 0 : i32
        %dma_start3A_217 = tpu.memref_slice %arg8[%add3A_188, %dma_start3A_216] : memref<160x128xi32, #tpu.memory_space<vmem>> -> memref<1x128xi32, #tpu.memory_space<vmem>>
        %dma_start3A_218 = tpu.memref_squeeze %dma_start3A_217 : memref<1x128xi32, #tpu.memory_space<vmem>> -> memref<128xi32, #tpu.memory_space<vmem>>
        %dma_start3A_219 = arith.constant 0 : i32
        %dma_start3A_220 = arith.constant 0 : i32
        %dma_start3A_221 = tpu.memref_slice %arg10[%dma_start3A_219, %dma_start3A_220] : memref<10112x64xf32, #tpu.memory_space<vmem_shared>> -> memref<10112x64xf32, #tpu.memory_space<vmem_shared>>
        tpu.enqueue_indirect_dma source(%dma_start3A_215 : memref<128x64xf32, #tpu.memory_space<vmem>>) target(%dma_start3A_221 : memref<10112x64xf32, #tpu.memory_space<vmem_shared>>) offsets(%dma_start3A_218 : memref<128xi32, #tpu.memory_space<vmem>>) semaphore(%run_scoped3A_211 : memref<!tpu.dma_semaphore, #tpu.memory_space<semaphore_mem>>) {add = true}
        %dma_wait3A_222 = arith.constant 0 : i32
        %dma_wait3A_223 = arith.constant 0 : i32
        %dma_wait3A_224 = tpu.memref_slice %arg9[%run_scoped3A_189, %dma_wait3A_222, %dma_wait3A_223] : memref<5x128x64xf32, #tpu.memory_space<vmem>> -> memref<1x128x64xf32, #tpu.memory_space<vmem>>
        %dma_wait3A_225 = tpu.memref_squeeze %dma_wait3A_224 : memref<1x128x64xf32, #tpu.memory_space<vmem>> -> memref<128x64xf32, #tpu.memory_space<vmem>>
        %dma_wait3A_226 = arith.constant 0 : i32
        %dma_wait3A_227 = tpu.memref_slice %arg8[%add3A_188, %dma_wait3A_226] : memref<160x128xi32, #tpu.memory_space<vmem>> -> memref<1x128xi32, #tpu.memory_space<vmem>>
        %dma_wait3A_228 = tpu.memref_squeeze %dma_wait3A_227 : memref<1x128xi32, #tpu.memory_space<vmem>> -> memref<128xi32, #tpu.memory_space<vmem>>
        %dma_wait3A_229 = arith.constant 0 : i32
        %dma_wait3A_230 = arith.constant 0 : i32
        %dma_wait3A_231 = tpu.memref_slice %arg10[%dma_wait3A_229, %dma_wait3A_230] : memref<10112x64xf32, #tpu.memory_space<vmem_shared>> -> memref<10112x64xf32, #tpu.memory_space<vmem_shared>>
        tpu.wait_indirect_dma semaphore(%run_scoped3A_211 : memref<!tpu.dma_semaphore, #tpu.memory_space<semaphore_mem>>) src(%dma_wait3A_225 : memref<128x64xf32, #tpu.memory_space<vmem>>) dst(%dma_wait3A_231 : memref<10112x64xf32, #tpu.memory_space<vmem_shared>>)
        tpu.yield
      }) : () -> ()
      %dma_wait3A_190 = arith.constant 4 : i32
      %dma_wait3A_191 = arith.constant 4 : i32
      %dma_wait3A_192 = arith.constant 0 : i32
      %dma_wait3A_193 = arith.constant 0 : i32
      %dma_wait3A_194 = tpu.memref_slice %arg9[%dma_wait3A_190, %dma_wait3A_192, %dma_wait3A_193] : memref<5x128x64xf32, #tpu.memory_space<vmem>> -> memref<1x128x64xf32, #tpu.memory_space<vmem>>
      %dma_wait3A_195 = tpu.memref_squeeze %dma_wait3A_194 : memref<1x128x64xf32, #tpu.memory_space<vmem>> -> memref<128x64xf32, #tpu.memory_space<vmem>>
      %dma_wait3A_196 = arith.constant 0 : i32
      %dma_wait3A_197 = tpu.memref_slice %arg7[%add3A_89, %dma_wait3A_196] : memref<160x128xi32, #tpu.memory_space<vmem>> -> memref<1x128xi32, #tpu.memory_space<vmem>>
      %dma_wait3A_198 = tpu.memref_squeeze %dma_wait3A_197 : memref<1x128xi32, #tpu.memory_space<vmem>> -> memref<128xi32, #tpu.memory_space<vmem>>
      %dma_wait3A_199 = arith.constant 0 : i32
      %dma_wait3A_200 = arith.constant 0 : i32
      %dma_wait3A_201 = tpu.memref_slice %arg2[%arg0, %dma_wait3A_199, %dma_wait3A_200] : memref<2x10000x64xf32, #tpu.memory_space<hbm>> -> memref<1x10000x64xf32, #tpu.memory_space<hbm>>
      %dma_wait3A_202 = tpu.memref_squeeze %dma_wait3A_201 : memref<1x10000x64xf32, #tpu.memory_space<hbm>> -> memref<10000x64xf32, #tpu.memory_space<hbm>>
      %dma_wait3A_203 = arith.constant 0 : i32
      %dma_wait3A_204 = arith.constant 0 : i32
      %dma_wait3A_205 = tpu.memref_slice %dma_wait3A_202[%dma_wait3A_203, %dma_wait3A_204] : memref<10000x64xf32, #tpu.memory_space<hbm>> -> memref<10000x64xf32, #tpu.memory_space<hbm>>
      %dma_wait3A_206 = tpu.memref_slice %arg11[%dma_wait3A_191] : memref<5x!tpu.dma_semaphore, #tpu.memory_space<semaphore_mem>> -> memref<1x!tpu.dma_semaphore, #tpu.memory_space<semaphore_mem>>
      %dma_wait3A_207 = tpu.memref_squeeze %dma_wait3A_206 : memref<1x!tpu.dma_semaphore, #tpu.memory_space<semaphore_mem>> -> memref<!tpu.dma_semaphore, #tpu.memory_space<semaphore_mem>>
      tpu.wait_indirect_dma semaphore(%dma_wait3A_207 : memref<!tpu.dma_semaphore, #tpu.memory_space<semaphore_mem>>) src(%dma_wait3A_205 : memref<10000x64xf32, #tpu.memory_space<hbm>>) dst(%dma_wait3A_195 : memref<128x64xf32, #tpu.memory_space<vmem>>)
      %add3A_208 = arith.constant 4 : i32
      %add3A_209 = arith.addi %mul3A_9, %add3A_208 : i32
      %run_scoped3A_210 = arith.constant 4 : i32
      "tpu.region"() ({
        %run_scoped3A_211 = tpu.sem_alloc : memref<!tpu.dma_semaphore, #tpu.memory_space<semaphore_mem>>
        %dma_start3A_212 = arith.constant 0 : i32
        %dma_start3A_213 = arith.constant 0 : i32
        %dma_start3A_214 = tpu.memref_slice %arg9[%run_scoped3A_210, %dma_start3A_212, %dma_start3A_213] : memref<5x128x64xf32, #tpu.memory_space<vmem>> -> memref<1x128x64xf32, #tpu.memory_space<vmem>>
        %dma_start3A_215 = tpu.memref_squeeze %dma_start3A_214 : memref<1x128x64xf32, #tpu.memory_space<vmem>> -> memref<128x64xf32, #tpu.memory_space<vmem>>
        %dma_start3A_216 = arith.constant 0 : i32
        %dma_start3A_217 = tpu.memref_slice %arg8[%add3A_209, %dma_start3A_216] : memref<160x128xi32, #tpu.memory_space<vmem>> -> memref<1x128xi32, #tpu.memory_space<vmem>>
        %dma_start3A_218 = tpu.memref_squeeze %dma_start3A_217 : memref<1x128xi32, #tpu.memory_space<vmem>> -> memref<128xi32, #tpu.memory_space<vmem>>
        %dma_start3A_219 = arith.constant 0 : i32
        %dma_start3A_220 = arith.constant 0 : i32
        %dma_start3A_221 = tpu.memref_slice %arg10[%dma_start3A_219, %dma_start3A_220] : memref<10112x64xf32, #tpu.memory_space<vmem_shared>> -> memref<10112x64xf32, #tpu.memory_space<vmem_shared>>
        tpu.enqueue_indirect_dma source(%dma_start3A_215 : memref<128x64xf32, #tpu.memory_space<vmem>>) target(%dma_start3A_221 : memref<10112x64xf32, #tpu.memory_space<vmem_shared>>) offsets(%dma_start3A_218 : memref<128xi32, #tpu.memory_space<vmem>>) semaphore(%run_scoped3A_211 : memref<!tpu.dma_semaphore, #tpu.memory_space<semaphore_mem>>) {add = true}
        %dma_wait3A_222 = arith.constant 0 : i32
        %dma_wait3A_223 = arith.constant 0 : i32
        %dma_wait3A_224 = tpu.memref_slice %arg9[%run_scoped3A_210, %dma_wait3A_222, %dma_wait3A_223] : memref<5x128x64xf32, #tpu.memory_space<vmem>> -> memref<1x128x64xf32, #tpu.memory_space<vmem>>
        %dma_wait3A_225 = tpu.memref_squeeze %dma_wait3A_224 : memref<1x128x64xf32, #tpu.memory_space<vmem>> -> memref<128x64xf32, #tpu.memory_space<vmem>>
        %dma_wait3A_226 = arith.constant 0 : i32
        %dma_wait3A_227 = tpu.memref_slice %arg8[%add3A_209, %dma_wait3A_226] : memref<160x128xi32, #tpu.memory_space<vmem>> -> memref<1x128xi32, #tpu.memory_space<vmem>>
        %dma_wait3A_228 = tpu.memref_squeeze %dma_wait3A_227 : memref<1x128xi32, #tpu.memory_space<vmem>> -> memref<128xi32, #tpu.memory_space<vmem>>
        %dma_wait3A_229 = arith.constant 0 : i32
        %dma_wait3A_230 = arith.constant 0 : i32
        %dma_wait3A_231 = tpu.memref_slice %arg10[%dma_wait3A_229, %dma_wait3A_230] : memref<10112x64xf32, #tpu.memory_space<vmem_shared>> -> memref<10112x64xf32, #tpu.memory_space<vmem_shared>>
        tpu.wait_indirect_dma semaphore(%run_scoped3A_211 : memref<!tpu.dma_semaphore, #tpu.memory_space<semaphore_mem>>) src(%dma_wait3A_225 : memref<128x64xf32, #tpu.memory_space<vmem>>) dst(%dma_wait3A_231 : memref<10112x64xf32, #tpu.memory_space<vmem_shared>>)
        tpu.yield
      }) : () -> ()
    }
    %scan3A_5 = arith.constant 32 : i32
    %barrier3A_6 = arith.constant 0 : index
    tpu.barrier barrier_id(%barrier3A_6)
    "tpu.region"() ({
      %run_scoped3A = tpu.sem_alloc : memref<!tpu.dma_semaphore, #tpu.memory_space<semaphore_mem>>
      %dma_start3A = arith.constant 0 : i32
      %dma_start3A_7 = tpu.memref_slice %arg6[%arg0, %mul3A_0, %dma_start3A] : memref<2x10112x64xf32, #tpu.memory_space<hbm>> -> memref<1x632x64xf32, #tpu.memory_space<hbm>>
      %dma_start3A_8 = tpu.memref_squeeze %dma_start3A_7 : memref<1x632x64xf32, #tpu.memory_space<hbm>> -> memref<632x64xf32, #tpu.memory_space<hbm>>
      %dma_start3A_9 = arith.constant 0 : i32
      %dma_start3A_10 = tpu.memref_slice %arg10[%mul3A_0, %dma_start3A_9] : memref<10112x64xf32, #tpu.memory_space<vmem_shared>> -> memref<632x64xf32, #tpu.memory_space<vmem_shared>>
      tpu.enqueue_dma source(%dma_start3A_10 : memref<632x64xf32, #tpu.memory_space<vmem_shared>>) target(%dma_start3A_8 : memref<632x64xf32, #tpu.memory_space<hbm>>) target_semaphore(%run_scoped3A : memref<!tpu.dma_semaphore, #tpu.memory_space<semaphore_mem>>)
      %dma_wait3A = arith.constant 0 : i32
      %dma_wait3A_11 = tpu.memref_slice %arg6[%arg0, %mul3A_0, %dma_wait3A] : memref<2x10112x64xf32, #tpu.memory_space<hbm>> -> memref<1x632x64xf32, #tpu.memory_space<hbm>>
      %dma_wait3A_12 = tpu.memref_squeeze %dma_wait3A_11 : memref<1x632x64xf32, #tpu.memory_space<hbm>> -> memref<632x64xf32, #tpu.memory_space<hbm>>
      %dma_wait3A_13 = arith.constant 0 : i32
      %dma_wait3A_14 = tpu.memref_slice %arg10[%mul3A_0, %dma_wait3A_13] : memref<10112x64xf32, #tpu.memory_space<vmem_shared>> -> memref<632x64xf32, #tpu.memory_space<vmem_shared>>
      tpu.wait_dma2 semaphore(%run_scoped3A : memref<!tpu.dma_semaphore, #tpu.memory_space<semaphore_mem>>) src(%dma_wait3A_14 : memref<632x64xf32, #tpu.memory_space<vmem_shared>>) dst(%dma_wait3A_12 : memref<632x64xf32, #tpu.memory_space<hbm>>)
      tpu.yield
    }) : () -> ()
    return
  }
}

#map = affine_map<(d0, d1) -> (0, 0, 0)>
#map1 = affine_map<(d0, d1) -> (0, 0)>
module attributes {stable_mosaic.version = 14 : i64} {
  func.func @_count_body(%arg0: i32, %arg1: i32, %arg2: memref<32x80x128xi32, #tpu.memory_space<hbm>>, %arg3: memref<10112x16xf32, #tpu.memory_space<hbm>>, %arg4: memref<128x16xf32, #tpu.memory_space<hbm>>, %arg5: memref<2x10112x16xf32, #tpu.memory_space<hbm>>, %arg6: memref<80x128xi32, #tpu.memory_space<vmem>>, %arg7: memref<128x16xf32, #tpu.memory_space<vmem>>, %arg8: memref<10112x16xf32, #tpu.memory_space<vmem_shared>>) attributes {dimension_semantics = [#tpu.dimension_semantics<core_parallel>, #tpu.dimension_semantics<subcore_parallel>], iteration_bounds = array<i64: 2, 16>, scalar_prefetch = 0 : i64, scratch_operands = 3 : i64, tpu.core_type = #tpu.core_type<sc_vector_subcore>, window_params = [{transform_indices = #map}, {transform_indices = #map1}, {transform_indices = #map1}, {transform_indices = #map}]} {
    %mul3A = arith.constant 16 : i32
    %mul3A_0 = arith.muli %arg0, %mul3A : i32
    %add3A = arith.addi %mul3A_0, %arg1 : i32
    "tpu.region"() ({
      %run_scoped3A = tpu.sem_alloc : memref<!tpu.dma_semaphore, #tpu.memory_space<semaphore_mem>>
      %dma_start3A = arith.constant 0 : i32
      %dma_start3A_9 = arith.constant 0 : i32
      %dma_start3A_10 = tpu.memref_slice %arg2[%add3A, %dma_start3A, %dma_start3A_9] : memref<32x80x128xi32, #tpu.memory_space<hbm>> -> memref<1x80x128xi32, #tpu.memory_space<hbm>>
      %dma_start3A_11 = tpu.memref_squeeze %dma_start3A_10 : memref<1x80x128xi32, #tpu.memory_space<hbm>> -> memref<80x128xi32, #tpu.memory_space<hbm>>
      %dma_start3A_12 = arith.constant 0 : i32
      %dma_start3A_13 = arith.constant 0 : i32
      %dma_start3A_14 = tpu.memref_slice %arg2[%add3A, %dma_start3A_12, %dma_start3A_13] : memref<32x80x128xi32, #tpu.memory_space<hbm>> -> memref<1x80x128xi32, #tpu.memory_space<hbm>>
      %dma_start3A_15 = tpu.memref_squeeze %dma_start3A_14 : memref<1x80x128xi32, #tpu.memory_space<hbm>> -> memref<80x128xi32, #tpu.memory_space<hbm>>
      tpu.enqueue_dma source(%dma_start3A_15 : memref<80x128xi32, #tpu.memory_space<hbm>>) target(%arg6 : memref<80x128xi32, #tpu.memory_space<vmem>>) target_semaphore(%run_scoped3A : memref<!tpu.dma_semaphore, #tpu.memory_space<semaphore_mem>>)
      %dma_wait3A = arith.constant 0 : i32
      %dma_wait3A_16 = arith.constant 0 : i32
      %dma_wait3A_17 = tpu.memref_slice %arg2[%add3A, %dma_wait3A, %dma_wait3A_16] : memref<32x80x128xi32, #tpu.memory_space<hbm>> -> memref<1x80x128xi32, #tpu.memory_space<hbm>>
      %dma_wait3A_18 = tpu.memref_squeeze %dma_wait3A_17 : memref<1x80x128xi32, #tpu.memory_space<hbm>> -> memref<80x128xi32, #tpu.memory_space<hbm>>
      %dma_wait3A_19 = arith.constant 0 : i32
      %dma_wait3A_20 = arith.constant 0 : i32
      %dma_wait3A_21 = tpu.memref_slice %arg2[%add3A, %dma_wait3A_19, %dma_wait3A_20] : memref<32x80x128xi32, #tpu.memory_space<hbm>> -> memref<1x80x128xi32, #tpu.memory_space<hbm>>
      %dma_wait3A_22 = tpu.memref_squeeze %dma_wait3A_21 : memref<1x80x128xi32, #tpu.memory_space<hbm>> -> memref<80x128xi32, #tpu.memory_space<hbm>>
      tpu.wait_dma2 semaphore(%run_scoped3A : memref<!tpu.dma_semaphore, #tpu.memory_space<semaphore_mem>>) src(%dma_wait3A_22 : memref<80x128xi32, #tpu.memory_space<hbm>>) dst(%arg6 : memref<80x128xi32, #tpu.memory_space<vmem>>)
      tpu.yield
    }) : () -> ()
    "tpu.region"() ({
      %run_scoped3A = tpu.sem_alloc : memref<!tpu.dma_semaphore, #tpu.memory_space<semaphore_mem>>
      tpu.enqueue_dma source(%arg4 : memref<128x16xf32, #tpu.memory_space<hbm>>) target(%arg7 : memref<128x16xf32, #tpu.memory_space<vmem>>) target_semaphore(%run_scoped3A : memref<!tpu.dma_semaphore, #tpu.memory_space<semaphore_mem>>)
      tpu.wait_dma2 semaphore(%run_scoped3A : memref<!tpu.dma_semaphore, #tpu.memory_space<semaphore_mem>>) src(%arg4 : memref<128x16xf32, #tpu.memory_space<hbm>>) dst(%arg7 : memref<128x16xf32, #tpu.memory_space<vmem>>)
      tpu.yield
    }) : () -> ()
    %mul3A_1 = arith.constant 632 : i32
    %mul3A_2 = arith.muli %arg1, %mul3A_1 : i32
    "tpu.region"() ({
      %run_scoped3A = tpu.sem_alloc : memref<!tpu.dma_semaphore, #tpu.memory_space<semaphore_mem>>
      %dma_start3A = arith.constant 0 : i32
      %dma_start3A_9 = tpu.memref_slice %arg8[%mul3A_2, %dma_start3A] : memref<10112x16xf32, #tpu.memory_space<vmem_shared>> -> memref<632x16xf32, #tpu.memory_space<vmem_shared>>
      %dma_start3A_10 = arith.constant 0 : i32
      %dma_start3A_11 = tpu.memref_slice %arg3[%mul3A_2, %dma_start3A_10] : memref<10112x16xf32, #tpu.memory_space<hbm>> -> memref<632x16xf32, #tpu.memory_space<hbm>>
      tpu.enqueue_dma source(%dma_start3A_11 : memref<632x16xf32, #tpu.memory_space<hbm>>) target(%dma_start3A_9 : memref<632x16xf32, #tpu.memory_space<vmem_shared>>) target_semaphore(%run_scoped3A : memref<!tpu.dma_semaphore, #tpu.memory_space<semaphore_mem>>)
      %dma_wait3A = arith.constant 0 : i32
      %dma_wait3A_12 = tpu.memref_slice %arg8[%mul3A_2, %dma_wait3A] : memref<10112x16xf32, #tpu.memory_space<vmem_shared>> -> memref<632x16xf32, #tpu.memory_space<vmem_shared>>
      %dma_wait3A_13 = arith.constant 0 : i32
      %dma_wait3A_14 = tpu.memref_slice %arg3[%mul3A_2, %dma_wait3A_13] : memref<10112x16xf32, #tpu.memory_space<hbm>> -> memref<632x16xf32, #tpu.memory_space<hbm>>
      tpu.wait_dma2 semaphore(%run_scoped3A : memref<!tpu.dma_semaphore, #tpu.memory_space<semaphore_mem>>) src(%dma_wait3A_14 : memref<632x16xf32, #tpu.memory_space<hbm>>) dst(%dma_wait3A_12 : memref<632x16xf32, #tpu.memory_space<vmem_shared>>)
      tpu.yield
    }) : () -> ()
    %barrier3A = arith.constant 0 : index
    tpu.barrier barrier_id(%barrier3A)
    %scan3A = arith.constant 0 : i32
    %scan3A_3 = arith.constant 0 : i32
    %scan3A_4 = arith.constant 80 : i32
    %scan3A_5 = arith.addi %scan3A_3, %scan3A_4 : i32
    %scan3A_6 = arith.constant 1 : i32
    scf.for %scan3A_9 = %scan3A_3 to %scan3A_5 step %scan3A_6  : i32 {
      "tpu.region"() ({
        %run_scoped3A = tpu.sem_alloc : memref<!tpu.dma_semaphore, #tpu.memory_space<semaphore_mem>>
        %dma_start3A = arith.constant 0 : i32
        %dma_start3A_10 = tpu.memref_slice %arg6[%scan3A_9, %dma_start3A] : memref<80x128xi32, #tpu.memory_space<vmem>> -> memref<1x128xi32, #tpu.memory_space<vmem>>
        %dma_start3A_11 = tpu.memref_squeeze %dma_start3A_10 : memref<1x128xi32, #tpu.memory_space<vmem>> -> memref<128xi32, #tpu.memory_space<vmem>>
        %dma_start3A_12 = arith.constant 0 : i32
        %dma_start3A_13 = arith.constant 0 : i32
        %dma_start3A_14 = tpu.memref_slice %arg8[%dma_start3A_12, %dma_start3A_13] : memref<10112x16xf32, #tpu.memory_space<vmem_shared>> -> memref<10112x16xf32, #tpu.memory_space<vmem_shared>>
        tpu.enqueue_indirect_dma source(%arg7 : memref<128x16xf32, #tpu.memory_space<vmem>>) target(%dma_start3A_14 : memref<10112x16xf32, #tpu.memory_space<vmem_shared>>) offsets(%dma_start3A_11 : memref<128xi32, #tpu.memory_space<vmem>>) semaphore(%run_scoped3A : memref<!tpu.dma_semaphore, #tpu.memory_space<semaphore_mem>>) {add = true}
        %dma_wait3A = arith.constant 0 : i32
        %dma_wait3A_15 = tpu.memref_slice %arg6[%scan3A_9, %dma_wait3A] : memref<80x128xi32, #tpu.memory_space<vmem>> -> memref<1x128xi32, #tpu.memory_space<vmem>>
        %dma_wait3A_16 = tpu.memref_squeeze %dma_wait3A_15 : memref<1x128xi32, #tpu.memory_space<vmem>> -> memref<128xi32, #tpu.memory_space<vmem>>
        %dma_wait3A_17 = arith.constant 0 : i32
        %dma_wait3A_18 = arith.constant 0 : i32
        %dma_wait3A_19 = tpu.memref_slice %arg8[%dma_wait3A_17, %dma_wait3A_18] : memref<10112x16xf32, #tpu.memory_space<vmem_shared>> -> memref<10112x16xf32, #tpu.memory_space<vmem_shared>>
        tpu.wait_indirect_dma semaphore(%run_scoped3A : memref<!tpu.dma_semaphore, #tpu.memory_space<semaphore_mem>>) src(%arg7 : memref<128x16xf32, #tpu.memory_space<vmem>>) dst(%dma_wait3A_19 : memref<10112x16xf32, #tpu.memory_space<vmem_shared>>)
        tpu.yield
      }) : () -> ()
    }
    %scan3A_7 = arith.constant 80 : i32
    %barrier3A_8 = arith.constant 0 : index
    tpu.barrier barrier_id(%barrier3A_8)
    "tpu.region"() ({
      %run_scoped3A = tpu.sem_alloc : memref<!tpu.dma_semaphore, #tpu.memory_space<semaphore_mem>>
      %dma_start3A = arith.constant 0 : i32
      %dma_start3A_9 = tpu.memref_slice %arg5[%arg0, %mul3A_2, %dma_start3A] : memref<2x10112x16xf32, #tpu.memory_space<hbm>> -> memref<1x632x16xf32, #tpu.memory_space<hbm>>
      %dma_start3A_10 = tpu.memref_squeeze %dma_start3A_9 : memref<1x632x16xf32, #tpu.memory_space<hbm>> -> memref<632x16xf32, #tpu.memory_space<hbm>>
      %dma_start3A_11 = arith.constant 0 : i32
      %dma_start3A_12 = tpu.memref_slice %arg8[%mul3A_2, %dma_start3A_11] : memref<10112x16xf32, #tpu.memory_space<vmem_shared>> -> memref<632x16xf32, #tpu.memory_space<vmem_shared>>
      tpu.enqueue_dma source(%dma_start3A_12 : memref<632x16xf32, #tpu.memory_space<vmem_shared>>) target(%dma_start3A_10 : memref<632x16xf32, #tpu.memory_space<hbm>>) target_semaphore(%run_scoped3A : memref<!tpu.dma_semaphore, #tpu.memory_space<semaphore_mem>>)
      %dma_wait3A = arith.constant 0 : i32
      %dma_wait3A_13 = tpu.memref_slice %arg5[%arg0, %mul3A_2, %dma_wait3A] : memref<2x10112x16xf32, #tpu.memory_space<hbm>> -> memref<1x632x16xf32, #tpu.memory_space<hbm>>
      %dma_wait3A_14 = tpu.memref_squeeze %dma_wait3A_13 : memref<1x632x16xf32, #tpu.memory_space<hbm>> -> memref<632x16xf32, #tpu.memory_space<hbm>>
      %dma_wait3A_15 = arith.constant 0 : i32
      %dma_wait3A_16 = tpu.memref_slice %arg8[%mul3A_2, %dma_wait3A_15] : memref<10112x16xf32, #tpu.memory_space<vmem_shared>> -> memref<632x16xf32, #tpu.memory_space<vmem_shared>>
      tpu.wait_dma2 semaphore(%run_scoped3A : memref<!tpu.dma_semaphore, #tpu.memory_space<semaphore_mem>>) src(%dma_wait3A_16 : memref<632x16xf32, #tpu.memory_space<vmem_shared>>) dst(%dma_wait3A_14 : memref<632x16xf32, #tpu.memory_space<hbm>>)
      tpu.yield
    }) : () -> ()
    return
  }
}

#map = affine_map<(d0, d1) -> (0, 0, 0)>
#map1 = affine_map<(d0, d1) -> (0, 0)>
module attributes {stable_mosaic.version = 14 : i64} {
  func.func @_segsum_body(%arg0: i32, %arg1: i32, %arg2: memref<2x10000x64xf32, #tpu.memory_space<hbm>>, %arg3: memref<16x160x128xi32, #tpu.memory_space<hbm>>, %arg4: memref<16x160x128xi32, #tpu.memory_space<hbm>>, %arg5: memref<10112x64xf32, #tpu.memory_space<hbm>>, %arg6: memref<2x10112x64xf32, #tpu.memory_space<hbm>>, %arg7: memref<160x128xi32, #tpu.memory_space<vmem>>, %arg8: memref<160x128xi32, #tpu.memory_space<vmem>>, %arg9: memref<5x128x64xf32, #tpu.memory_space<vmem>>, %arg10: memref<10112x64xf32, #tpu.memory_space<vmem_shared>>, %arg11: memref<5x!tpu.dma_semaphore, #tpu.memory_space<semaphore_mem>>, %arg12: memref<5x!tpu.dma_semaphore, #tpu.memory_space<semaphore_mem>>) attributes {dimension_semantics = [#tpu.dimension_semantics<core_parallel>, #tpu.dimension_semantics<subcore_parallel>], iteration_bounds = array<i64: 2, 16>, scalar_prefetch = 0 : i64, scratch_operands = 6 : i64, tpu.core_type = #tpu.core_type<sc_vector_subcore>, window_params = [{transform_indices = #map}, {transform_indices = #map}, {transform_indices = #map}, {transform_indices = #map1}, {transform_indices = #map}]} {
    "tpu.region"() ({
      %run_scoped3A = tpu.sem_alloc : memref<!tpu.dma_semaphore, #tpu.memory_space<semaphore_mem>>
      %dma_start3A = arith.constant 0 : i32
      %dma_start3A_7 = arith.constant 0 : i32
      %dma_start3A_8 = tpu.memref_slice %arg3[%arg1, %dma_start3A, %dma_start3A_7] : memref<16x160x128xi32, #tpu.memory_space<hbm>> -> memref<1x160x128xi32, #tpu.memory_space<hbm>>
      %dma_start3A_9 = tpu.memref_squeeze %dma_start3A_8 : memref<1x160x128xi32, #tpu.memory_space<hbm>> -> memref<160x128xi32, #tpu.memory_space<hbm>>
      %dma_start3A_10 = arith.constant 0 : i32
      %dma_start3A_11 = arith.constant 0 : i32
      %dma_start3A_12 = tpu.memref_slice %arg3[%arg1, %dma_start3A_10, %dma_start3A_11] : memref<16x160x128xi32, #tpu.memory_space<hbm>> -> memref<1x160x128xi32, #tpu.memory_space<hbm>>
      %dma_start3A_13 = tpu.memref_squeeze %dma_start3A_12 : memref<1x160x128xi32, #tpu.memory_space<hbm>> -> memref<160x128xi32, #tpu.memory_space<hbm>>
      tpu.enqueue_dma source(%dma_start3A_13 : memref<160x128xi32, #tpu.memory_space<hbm>>) target(%arg7 : memref<160x128xi32, #tpu.memory_space<vmem>>) target_semaphore(%run_scoped3A : memref<!tpu.dma_semaphore, #tpu.memory_space<semaphore_mem>>)
      %dma_wait3A = arith.constant 0 : i32
      %dma_wait3A_14 = arith.constant 0 : i32
      %dma_wait3A_15 = tpu.memref_slice %arg3[%arg1, %dma_wait3A, %dma_wait3A_14] : memref<16x160x128xi32, #tpu.memory_space<hbm>> -> memref<1x160x128xi32, #tpu.memory_space<hbm>>
      %dma_wait3A_16 = tpu.memref_squeeze %dma_wait3A_15 : memref<1x160x128xi32, #tpu.memory_space<hbm>> -> memref<160x128xi32, #tpu.memory_space<hbm>>
      %dma_wait3A_17 = arith.constant 0 : i32
      %dma_wait3A_18 = arith.constant 0 : i32
      %dma_wait3A_19 = tpu.memref_slice %arg3[%arg1, %dma_wait3A_17, %dma_wait3A_18] : memref<16x160x128xi32, #tpu.memory_space<hbm>> -> memref<1x160x128xi32, #tpu.memory_space<hbm>>
      %dma_wait3A_20 = tpu.memref_squeeze %dma_wait3A_19 : memref<1x160x128xi32, #tpu.memory_space<hbm>> -> memref<160x128xi32, #tpu.memory_space<hbm>>
      tpu.wait_dma2 semaphore(%run_scoped3A : memref<!tpu.dma_semaphore, #tpu.memory_space<semaphore_mem>>) src(%dma_wait3A_20 : memref<160x128xi32, #tpu.memory_space<hbm>>) dst(%arg7 : memref<160x128xi32, #tpu.memory_space<vmem>>)
      tpu.yield
    }) : () -> ()
    "tpu.region"() ({
      %run_scoped3A = tpu.sem_alloc : memref<!tpu.dma_semaphore, #tpu.memory_space<semaphore_mem>>
      %dma_start3A = arith.constant 0 : i32
      %dma_start3A_7 = arith.constant 0 : i32
      %dma_start3A_8 = tpu.memref_slice %arg4[%arg1, %dma_start3A, %dma_start3A_7] : memref<16x160x128xi32, #tpu.memory_space<hbm>> -> memref<1x160x128xi32, #tpu.memory_space<hbm>>
      %dma_start3A_9 = tpu.memref_squeeze %dma_start3A_8 : memref<1x160x128xi32, #tpu.memory_space<hbm>> -> memref<160x128xi32, #tpu.memory_space<hbm>>
      %dma_start3A_10 = arith.constant 0 : i32
      %dma_start3A_11 = arith.constant 0 : i32
      %dma_start3A_12 = tpu.memref_slice %arg4[%arg1, %dma_start3A_10, %dma_start3A_11] : memref<16x160x128xi32, #tpu.memory_space<hbm>> -> memref<1x160x128xi32, #tpu.memory_space<hbm>>
      %dma_start3A_13 = tpu.memref_squeeze %dma_start3A_12 : memref<1x160x128xi32, #tpu.memory_space<hbm>> -> memref<160x128xi32, #tpu.memory_space<hbm>>
      tpu.enqueue_dma source(%dma_start3A_13 : memref<160x128xi32, #tpu.memory_space<hbm>>) target(%arg8 : memref<160x128xi32, #tpu.memory_space<vmem>>) target_semaphore(%run_scoped3A : memref<!tpu.dma_semaphore, #tpu.memory_space<semaphore_mem>>)
      %dma_wait3A = arith.constant 0 : i32
      %dma_wait3A_14 = arith.constant 0 : i32
      %dma_wait3A_15 = tpu.memref_slice %arg4[%arg1, %dma_wait3A, %dma_wait3A_14] : memref<16x160x128xi32, #tpu.memory_space<hbm>> -> memref<1x160x128xi32, #tpu.memory_space<hbm>>
      %dma_wait3A_16 = tpu.memref_squeeze %dma_wait3A_15 : memref<1x160x128xi32, #tpu.memory_space<hbm>> -> memref<160x128xi32, #tpu.memory_space<hbm>>
      %dma_wait3A_17 = arith.constant 0 : i32
      %dma_wait3A_18 = arith.constant 0 : i32
      %dma_wait3A_19 = tpu.memref_slice %arg4[%arg1, %dma_wait3A_17, %dma_wait3A_18] : memref<16x160x128xi32, #tpu.memory_space<hbm>> -> memref<1x160x128xi32, #tpu.memory_space<hbm>>
      %dma_wait3A_20 = tpu.memref_squeeze %dma_wait3A_19 : memref<1x160x128xi32, #tpu.memory_space<hbm>> -> memref<160x128xi32, #tpu.memory_space<hbm>>
      tpu.wait_dma2 semaphore(%run_scoped3A : memref<!tpu.dma_semaphore, #tpu.memory_space<semaphore_mem>>) src(%dma_wait3A_20 : memref<160x128xi32, #tpu.memory_space<hbm>>) dst(%arg8 : memref<160x128xi32, #tpu.memory_space<vmem>>)
      tpu.yield
    }) : () -> ()
    %mul3A = arith.constant 632 : i32
    %mul3A_0 = arith.muli %arg1, %mul3A : i32
    "tpu.region"() ({
      %run_scoped3A = tpu.sem_alloc : memref<!tpu.dma_semaphore, #tpu.memory_space<semaphore_mem>>
      %dma_start3A = arith.constant 0 : i32
      %dma_start3A_7 = tpu.memref_slice %arg10[%mul3A_0, %dma_start3A] : memref<10112x64xf32, #tpu.memory_space<vmem_shared>> -> memref<632x64xf32, #tpu.memory_space<vmem_shared>>
      %dma_start3A_8 = arith.constant 0 : i32
      %dma_start3A_9 = tpu.memref_slice %arg5[%mul3A_0, %dma_start3A_8] : memref<10112x64xf32, #tpu.memory_space<hbm>> -> memref<632x64xf32, #tpu.memory_space<hbm>>
      tpu.enqueue_dma source(%dma_start3A_9 : memref<632x64xf32, #tpu.memory_space<hbm>>) target(%dma_start3A_7 : memref<632x64xf32, #tpu.memory_space<vmem_shared>>) target_semaphore(%run_scoped3A : memref<!tpu.dma_semaphore, #tpu.memory_space<semaphore_mem>>)
      %dma_wait3A = arith.constant 0 : i32
      %dma_wait3A_10 = tpu.memref_slice %arg10[%mul3A_0, %dma_wait3A] : memref<10112x64xf32, #tpu.memory_space<vmem_shared>> -> memref<632x64xf32, #tpu.memory_space<vmem_shared>>
      %dma_wait3A_11 = arith.constant 0 : i32
      %dma_wait3A_12 = tpu.memref_slice %arg5[%mul3A_0, %dma_wait3A_11] : memref<10112x64xf32, #tpu.memory_space<hbm>> -> memref<632x64xf32, #tpu.memory_space<hbm>>
      tpu.wait_dma2 semaphore(%run_scoped3A : memref<!tpu.dma_semaphore, #tpu.memory_space<semaphore_mem>>) src(%dma_wait3A_12 : memref<632x64xf32, #tpu.memory_space<hbm>>) dst(%dma_wait3A_10 : memref<632x64xf32, #tpu.memory_space<vmem_shared>>)
      tpu.yield
    }) : () -> ()
    %barrier3A = arith.constant 0 : index
    tpu.barrier barrier_id(%barrier3A)
    %scan3A = arith.constant 0 : i32
    %scan3A_1 = arith.constant 0 : i32
    %scan3A_2 = arith.constant 32 : i32
    %scan3A_3 = arith.addi %scan3A_1, %scan3A_2 : i32
    %scan3A_4 = arith.constant 1 : i32
    scf.for %scan3A_7 = %scan3A_1 to %scan3A_3 step %scan3A_4  : i32 {
      %mul3A_8 = arith.constant 5 : i32
      %mul3A_9 = arith.muli %mul3A_8, %scan3A_7 : i32
      %add3A = arith.constant 0 : i32
      %add3A_10 = arith.addi %mul3A_9, %add3A : i32
      %dma_start3A = arith.constant 0 : i32
      %dma_start3A_11 = arith.constant 0 : i32
      %dma_start3A_12 = arith.constant 0 : i32
      %dma_start3A_13 = arith.constant 0 : i32
      %dma_start3A_14 = tpu.memref_slice %arg9[%dma_start3A, %dma_start3A_12, %dma_start3A_13] : memref<5x128x64xf32, #tpu.memory_space<vmem>> -> memref<1x128x64xf32, #tpu.memory_space<vmem>>
      %dma_start3A_15 = tpu.memref_squeeze %dma_start3A_14 : memref<1x128x64xf32, #tpu.memory_space<vmem>> -> memref<128x64xf32, #tpu.memory_space<vmem>>
      %dma_start3A_16 = arith.constant 0 : i32
      %dma_start3A_17 = tpu.memref_slice %arg7[%add3A_10, %dma_start3A_16] : memref<160x128xi32, #tpu.memory_space<vmem>> -> memref<1x128xi32, #tpu.memory_space<vmem>>
      %dma_start3A_18 = tpu.memref_squeeze %dma_start3A_17 : memref<1x128xi32, #tpu.memory_space<vmem>> -> memref<128xi32, #tpu.memory_space<vmem>>
      %dma_start3A_19 = arith.constant 0 : i32
      %dma_start3A_20 = arith.constant 0 : i32
      %dma_start3A_21 = tpu.memref_slice %arg2[%arg0, %dma_start3A_19, %dma_start3A_20] : memref<2x10000x64xf32, #tpu.memory_space<hbm>> -> memref<1x10000x64xf32, #tpu.memory_space<hbm>>
      %dma_start3A_22 = tpu.memref_squeeze %dma_start3A_21 : memref<1x10000x64xf32, #tpu.memory_space<hbm>> -> memref<10000x64xf32, #tpu.memory_space<hbm>>
      %dma_start3A_23 = arith.constant 0 : i32
      %dma_start3A_24 = arith.constant 0 : i32
      %dma_start3A_25 = tpu.memref_slice %dma_start3A_22[%dma_start3A_23, %dma_start3A_24] : memref<10000x64xf32, #tpu.memory_space<hbm>> -> memref<10000x64xf32, #tpu.memory_space<hbm>>
      %dma_start3A_26 = tpu.memref_slice %arg11[%dma_start3A_11] : memref<5x!tpu.dma_semaphore, #tpu.memory_space<semaphore_mem>> -> memref<1x!tpu.dma_semaphore, #tpu.memory_space<semaphore_mem>>
      %dma_start3A_27 = tpu.memref_squeeze %dma_start3A_26 : memref<1x!tpu.dma_semaphore, #tpu.memory_space<semaphore_mem>> -> memref<!tpu.dma_semaphore, #tpu.memory_space<semaphore_mem>>
      tpu.enqueue_indirect_dma source(%dma_start3A_25 : memref<10000x64xf32, #tpu.memory_space<hbm>>) target(%dma_start3A_15 : memref<128x64xf32, #tpu.memory_space<vmem>>) offsets(%dma_start3A_18 : memref<128xi32, #tpu.memory_space<vmem>>) semaphore(%dma_start3A_27 : memref<!tpu.dma_semaphore, #tpu.memory_space<semaphore_mem>>)
      %add3A_28 = arith.constant 1 : i32
      %add3A_29 = arith.addi %mul3A_9, %add3A_28 : i32
      %dma_start3A_30 = arith.constant 1 : i32
      %dma_start3A_31 = arith.constant 1 : i32
      %dma_start3A_32 = arith.constant 0 : i32
      %dma_start3A_33 = arith.constant 0 : i32
      %dma_start3A_34 = tpu.memref_slice %arg9[%dma_start3A_30, %dma_start3A_32, %dma_start3A_33] : memref<5x128x64xf32, #tpu.memory_space<vmem>> -> memref<1x128x64xf32, #tpu.memory_space<vmem>>
      %dma_start3A_35 = tpu.memref_squeeze %dma_start3A_34 : memref<1x128x64xf32, #tpu.memory_space<vmem>> -> memref<128x64xf32, #tpu.memory_space<vmem>>
      %dma_start3A_36 = arith.constant 0 : i32
      %dma_start3A_37 = tpu.memref_slice %arg7[%add3A_29, %dma_start3A_36] : memref<160x128xi32, #tpu.memory_space<vmem>> -> memref<1x128xi32, #tpu.memory_space<vmem>>
      %dma_start3A_38 = tpu.memref_squeeze %dma_start3A_37 : memref<1x128xi32, #tpu.memory_space<vmem>> -> memref<128xi32, #tpu.memory_space<vmem>>
      %dma_start3A_39 = arith.constant 0 : i32
      %dma_start3A_40 = arith.constant 0 : i32
      %dma_start3A_41 = tpu.memref_slice %arg2[%arg0, %dma_start3A_39, %dma_start3A_40] : memref<2x10000x64xf32, #tpu.memory_space<hbm>> -> memref<1x10000x64xf32, #tpu.memory_space<hbm>>
      %dma_start3A_42 = tpu.memref_squeeze %dma_start3A_41 : memref<1x10000x64xf32, #tpu.memory_space<hbm>> -> memref<10000x64xf32, #tpu.memory_space<hbm>>
      %dma_start3A_43 = arith.constant 0 : i32
      %dma_start3A_44 = arith.constant 0 : i32
      %dma_start3A_45 = tpu.memref_slice %dma_start3A_42[%dma_start3A_43, %dma_start3A_44] : memref<10000x64xf32, #tpu.memory_space<hbm>> -> memref<10000x64xf32, #tpu.memory_space<hbm>>
      %dma_start3A_46 = tpu.memref_slice %arg11[%dma_start3A_31] : memref<5x!tpu.dma_semaphore, #tpu.memory_space<semaphore_mem>> -> memref<1x!tpu.dma_semaphore, #tpu.memory_space<semaphore_mem>>
      %dma_start3A_47 = tpu.memref_squeeze %dma_start3A_46 : memref<1x!tpu.dma_semaphore, #tpu.memory_space<semaphore_mem>> -> memref<!tpu.dma_semaphore, #tpu.memory_space<semaphore_mem>>
      tpu.enqueue_indirect_dma source(%dma_start3A_45 : memref<10000x64xf32, #tpu.memory_space<hbm>>) target(%dma_start3A_35 : memref<128x64xf32, #tpu.memory_space<vmem>>) offsets(%dma_start3A_38 : memref<128xi32, #tpu.memory_space<vmem>>) semaphore(%dma_start3A_47 : memref<!tpu.dma_semaphore, #tpu.memory_space<semaphore_mem>>)
      %add3A_48 = arith.constant 2 : i32
      %add3A_49 = arith.addi %mul3A_9, %add3A_48 : i32
      %dma_start3A_50 = arith.constant 2 : i32
      %dma_start3A_51 = arith.constant 2 : i32
      %dma_start3A_52 = arith.constant 0 : i32
      %dma_start3A_53 = arith.constant 0 : i32
      %dma_start3A_54 = tpu.memref_slice %arg9[%dma_start3A_50, %dma_start3A_52, %dma_start3A_53] : memref<5x128x64xf32, #tpu.memory_space<vmem>> -> memref<1x128x64xf32, #tpu.memory_space<vmem>>
      %dma_start3A_55 = tpu.memref_squeeze %dma_start3A_54 : memref<1x128x64xf32, #tpu.memory_space<vmem>> -> memref<128x64xf32, #tpu.memory_space<vmem>>
      %dma_start3A_56 = arith.constant 0 : i32
      %dma_start3A_57 = tpu.memref_slice %arg7[%add3A_49, %dma_start3A_56] : memref<160x128xi32, #tpu.memory_space<vmem>> -> memref<1x128xi32, #tpu.memory_space<vmem>>
      %dma_start3A_58 = tpu.memref_squeeze %dma_start3A_57 : memref<1x128xi32, #tpu.memory_space<vmem>> -> memref<128xi32, #tpu.memory_space<vmem>>
      %dma_start3A_59 = arith.constant 0 : i32
      %dma_start3A_60 = arith.constant 0 : i32
      %dma_start3A_61 = tpu.memref_slice %arg2[%arg0, %dma_start3A_59, %dma_start3A_60] : memref<2x10000x64xf32, #tpu.memory_space<hbm>> -> memref<1x10000x64xf32, #tpu.memory_space<hbm>>
      %dma_start3A_62 = tpu.memref_squeeze %dma_start3A_61 : memref<1x10000x64xf32, #tpu.memory_space<hbm>> -> memref<10000x64xf32, #tpu.memory_space<hbm>>
      %dma_start3A_63 = arith.constant 0 : i32
      %dma_start3A_64 = arith.constant 0 : i32
      %dma_start3A_65 = tpu.memref_slice %dma_start3A_62[%dma_start3A_63, %dma_start3A_64] : memref<10000x64xf32, #tpu.memory_space<hbm>> -> memref<10000x64xf32, #tpu.memory_space<hbm>>
      %dma_start3A_66 = tpu.memref_slice %arg11[%dma_start3A_51] : memref<5x!tpu.dma_semaphore, #tpu.memory_space<semaphore_mem>> -> memref<1x!tpu.dma_semaphore, #tpu.memory_space<semaphore_mem>>
      %dma_start3A_67 = tpu.memref_squeeze %dma_start3A_66 : memref<1x!tpu.dma_semaphore, #tpu.memory_space<semaphore_mem>> -> memref<!tpu.dma_semaphore, #tpu.memory_space<semaphore_mem>>
      tpu.enqueue_indirect_dma source(%dma_start3A_65 : memref<10000x64xf32, #tpu.memory_space<hbm>>) target(%dma_start3A_55 : memref<128x64xf32, #tpu.memory_space<vmem>>) offsets(%dma_start3A_58 : memref<128xi32, #tpu.memory_space<vmem>>) semaphore(%dma_start3A_67 : memref<!tpu.dma_semaphore, #tpu.memory_space<semaphore_mem>>)
      %add3A_68 = arith.constant 3 : i32
      %add3A_69 = arith.addi %mul3A_9, %add3A_68 : i32
      %dma_start3A_70 = arith.constant 3 : i32
      %dma_start3A_71 = arith.constant 3 : i32
      %dma_start3A_72 = arith.constant 0 : i32
      %dma_start3A_73 = arith.constant 0 : i32
      %dma_start3A_74 = tpu.memref_slice %arg9[%dma_start3A_70, %dma_start3A_72, %dma_start3A_73] : memref<5x128x64xf32, #tpu.memory_space<vmem>> -> memref<1x128x64xf32, #tpu.memory_space<vmem>>
      %dma_start3A_75 = tpu.memref_squeeze %dma_start3A_74 : memref<1x128x64xf32, #tpu.memory_space<vmem>> -> memref<128x64xf32, #tpu.memory_space<vmem>>
      %dma_start3A_76 = arith.constant 0 : i32
      %dma_start3A_77 = tpu.memref_slice %arg7[%add3A_69, %dma_start3A_76] : memref<160x128xi32, #tpu.memory_space<vmem>> -> memref<1x128xi32, #tpu.memory_space<vmem>>
      %dma_start3A_78 = tpu.memref_squeeze %dma_start3A_77 : memref<1x128xi32, #tpu.memory_space<vmem>> -> memref<128xi32, #tpu.memory_space<vmem>>
      %dma_start3A_79 = arith.constant 0 : i32
      %dma_start3A_80 = arith.constant 0 : i32
      %dma_start3A_81 = tpu.memref_slice %arg2[%arg0, %dma_start3A_79, %dma_start3A_80] : memref<2x10000x64xf32, #tpu.memory_space<hbm>> -> memref<1x10000x64xf32, #tpu.memory_space<hbm>>
      %dma_start3A_82 = tpu.memref_squeeze %dma_start3A_81 : memref<1x10000x64xf32, #tpu.memory_space<hbm>> -> memref<10000x64xf32, #tpu.memory_space<hbm>>
      %dma_start3A_83 = arith.constant 0 : i32
      %dma_start3A_84 = arith.constant 0 : i32
      %dma_start3A_85 = tpu.memref_slice %dma_start3A_82[%dma_start3A_83, %dma_start3A_84] : memref<10000x64xf32, #tpu.memory_space<hbm>> -> memref<10000x64xf32, #tpu.memory_space<hbm>>
      %dma_start3A_86 = tpu.memref_slice %arg11[%dma_start3A_71] : memref<5x!tpu.dma_semaphore, #tpu.memory_space<semaphore_mem>> -> memref<1x!tpu.dma_semaphore, #tpu.memory_space<semaphore_mem>>
      %dma_start3A_87 = tpu.memref_squeeze %dma_start3A_86 : memref<1x!tpu.dma_semaphore, #tpu.memory_space<semaphore_mem>> -> memref<!tpu.dma_semaphore, #tpu.memory_space<semaphore_mem>>
      tpu.enqueue_indirect_dma source(%dma_start3A_85 : memref<10000x64xf32, #tpu.memory_space<hbm>>) target(%dma_start3A_75 : memref<128x64xf32, #tpu.memory_space<vmem>>) offsets(%dma_start3A_78 : memref<128xi32, #tpu.memory_space<vmem>>) semaphore(%dma_start3A_87 : memref<!tpu.dma_semaphore, #tpu.memory_space<semaphore_mem>>)
      %add3A_88 = arith.constant 4 : i32
      %add3A_89 = arith.addi %mul3A_9, %add3A_88 : i32
      %dma_start3A_90 = arith.constant 4 : i32
      %dma_start3A_91 = arith.constant 4 : i32
      %dma_start3A_92 = arith.constant 0 : i32
      %dma_start3A_93 = arith.constant 0 : i32
      %dma_start3A_94 = tpu.memref_slice %arg9[%dma_start3A_90, %dma_start3A_92, %dma_start3A_93] : memref<5x128x64xf32, #tpu.memory_space<vmem>> -> memref<1x128x64xf32, #tpu.memory_space<vmem>>
      %dma_start3A_95 = tpu.memref_squeeze %dma_start3A_94 : memref<1x128x64xf32, #tpu.memory_space<vmem>> -> memref<128x64xf32, #tpu.memory_space<vmem>>
      %dma_start3A_96 = arith.constant 0 : i32
      %dma_start3A_97 = tpu.memref_slice %arg7[%add3A_89, %dma_start3A_96] : memref<160x128xi32, #tpu.memory_space<vmem>> -> memref<1x128xi32, #tpu.memory_space<vmem>>
      %dma_start3A_98 = tpu.memref_squeeze %dma_start3A_97 : memref<1x128xi32, #tpu.memory_space<vmem>> -> memref<128xi32, #tpu.memory_space<vmem>>
      %dma_start3A_99 = arith.constant 0 : i32
      %dma_start3A_100 = arith.constant 0 : i32
      %dma_start3A_101 = tpu.memref_slice %arg2[%arg0, %dma_start3A_99, %dma_start3A_100] : memref<2x10000x64xf32, #tpu.memory_space<hbm>> -> memref<1x10000x64xf32, #tpu.memory_space<hbm>>
      %dma_start3A_102 = tpu.memref_squeeze %dma_start3A_101 : memref<1x10000x64xf32, #tpu.memory_space<hbm>> -> memref<10000x64xf32, #tpu.memory_space<hbm>>
      %dma_start3A_103 = arith.constant 0 : i32
      %dma_start3A_104 = arith.constant 0 : i32
      %dma_start3A_105 = tpu.memref_slice %dma_start3A_102[%dma_start3A_103, %dma_start3A_104] : memref<10000x64xf32, #tpu.memory_space<hbm>> -> memref<10000x64xf32, #tpu.memory_space<hbm>>
      %dma_start3A_106 = tpu.memref_slice %arg11[%dma_start3A_91] : memref<5x!tpu.dma_semaphore, #tpu.memory_space<semaphore_mem>> -> memref<1x!tpu.dma_semaphore, #tpu.memory_space<semaphore_mem>>
      %dma_start3A_107 = tpu.memref_squeeze %dma_start3A_106 : memref<1x!tpu.dma_semaphore, #tpu.memory_space<semaphore_mem>> -> memref<!tpu.dma_semaphore, #tpu.memory_space<semaphore_mem>>
      tpu.enqueue_indirect_dma source(%dma_start3A_105 : memref<10000x64xf32, #tpu.memory_space<hbm>>) target(%dma_start3A_95 : memref<128x64xf32, #tpu.memory_space<vmem>>) offsets(%dma_start3A_98 : memref<128xi32, #tpu.memory_space<vmem>>) semaphore(%dma_start3A_107 : memref<!tpu.dma_semaphore, #tpu.memory_space<semaphore_mem>>)
      %dma_wait3A = arith.constant 0 : i32
      %dma_wait3A_108 = arith.constant 0 : i32
      %dma_wait3A_109 = arith.constant 0 : i32
      %dma_wait3A_110 = arith.constant 0 : i32
      %dma_wait3A_111 = tpu.memref_slice %arg9[%dma_wait3A, %dma_wait3A_109, %dma_wait3A_110] : memref<5x128x64xf32, #tpu.memory_space<vmem>> -> memref<1x128x64xf32, #tpu.memory_space<vmem>>
      %dma_wait3A_112 = tpu.memref_squeeze %dma_wait3A_111 : memref<1x128x64xf32, #tpu.memory_space<vmem>> -> memref<128x64xf32, #tpu.memory_space<vmem>>
      %dma_wait3A_113 = arith.constant 0 : i32
      %dma_wait3A_114 = tpu.memref_slice %arg7[%add3A_10, %dma_wait3A_113] : memref<160x128xi32, #tpu.memory_space<vmem>> -> memref<1x128xi32, #tpu.memory_space<vmem>>
      %dma_wait3A_115 = tpu.memref_squeeze %dma_wait3A_114 : memref<1x128xi32, #tpu.memory_space<vmem>> -> memref<128xi32, #tpu.memory_space<vmem>>
      %dma_wait3A_116 = arith.constant 0 : i32
      %dma_wait3A_117 = arith.constant 0 : i32
      %dma_wait3A_118 = tpu.memref_slice %arg2[%arg0, %dma_wait3A_116, %dma_wait3A_117] : memref<2x10000x64xf32, #tpu.memory_space<hbm>> -> memref<1x10000x64xf32, #tpu.memory_space<hbm>>
      %dma_wait3A_119 = tpu.memref_squeeze %dma_wait3A_118 : memref<1x10000x64xf32, #tpu.memory_space<hbm>> -> memref<10000x64xf32, #tpu.memory_space<hbm>>
      %dma_wait3A_120 = arith.constant 0 : i32
      %dma_wait3A_121 = arith.constant 0 : i32
      %dma_wait3A_122 = tpu.memref_slice %dma_wait3A_119[%dma_wait3A_120, %dma_wait3A_121] : memref<10000x64xf32, #tpu.memory_space<hbm>> -> memref<10000x64xf32, #tpu.memory_space<hbm>>
      %dma_wait3A_123 = tpu.memref_slice %arg11[%dma_wait3A_108] : memref<5x!tpu.dma_semaphore, #tpu.memory_space<semaphore_mem>> -> memref<1x!tpu.dma_semaphore, #tpu.memory_space<semaphore_mem>>
      %dma_wait3A_124 = tpu.memref_squeeze %dma_wait3A_123 : memref<1x!tpu.dma_semaphore, #tpu.memory_space<semaphore_mem>> -> memref<!tpu.dma_semaphore, #tpu.memory_space<semaphore_mem>>
      tpu.wait_indirect_dma semaphore(%dma_wait3A_124 : memref<!tpu.dma_semaphore, #tpu.memory_space<semaphore_mem>>) src(%dma_wait3A_122 : memref<10000x64xf32, #tpu.memory_space<hbm>>) dst(%dma_wait3A_112 : memref<128x64xf32, #tpu.memory_space<vmem>>)
      %add3A_125 = arith.constant 0 : i32
      %add3A_126 = arith.addi %mul3A_9, %add3A_125 : i32
      %run_scoped3A = arith.constant 0 : i32
      "tpu.region"() ({
        %run_scoped3A_211 = tpu.sem_alloc : memref<!tpu.dma_semaphore, #tpu.memory_space<semaphore_mem>>
        %dma_start3A_212 = arith.constant 0 : i32
        %dma_start3A_213 = arith.constant 0 : i32
        %dma_start3A_214 = tpu.memref_slice %arg9[%run_scoped3A, %dma_start3A_212, %dma_start3A_213] : memref<5x128x64xf32, #tpu.memory_space<vmem>> -> memref<1x128x64xf32, #tpu.memory_space<vmem>>
        %dma_start3A_215 = tpu.memref_squeeze %dma_start3A_214 : memref<1x128x64xf32, #tpu.memory_space<vmem>> -> memref<128x64xf32, #tpu.memory_space<vmem>>
        %dma_start3A_216 = arith.constant 0 : i32
        %dma_start3A_217 = tpu.memref_slice %arg8[%add3A_126, %dma_start3A_216] : memref<160x128xi32, #tpu.memory_space<vmem>> -> memref<1x128xi32, #tpu.memory_space<vmem>>
        %dma_start3A_218 = tpu.memref_squeeze %dma_start3A_217 : memref<1x128xi32, #tpu.memory_space<vmem>> -> memref<128xi32, #tpu.memory_space<vmem>>
        %dma_start3A_219 = arith.constant 0 : i32
        %dma_start3A_220 = arith.constant 0 : i32
        %dma_start3A_221 = tpu.memref_slice %arg10[%dma_start3A_219, %dma_start3A_220] : memref<10112x64xf32, #tpu.memory_space<vmem_shared>> -> memref<10112x64xf32, #tpu.memory_space<vmem_shared>>
        tpu.enqueue_indirect_dma source(%dma_start3A_215 : memref<128x64xf32, #tpu.memory_space<vmem>>) target(%dma_start3A_221 : memref<10112x64xf32, #tpu.memory_space<vmem_shared>>) offsets(%dma_start3A_218 : memref<128xi32, #tpu.memory_space<vmem>>) semaphore(%run_scoped3A_211 : memref<!tpu.dma_semaphore, #tpu.memory_space<semaphore_mem>>) {add = true}
        %dma_wait3A_222 = arith.constant 0 : i32
        %dma_wait3A_223 = arith.constant 0 : i32
        %dma_wait3A_224 = tpu.memref_slice %arg9[%run_scoped3A, %dma_wait3A_222, %dma_wait3A_223] : memref<5x128x64xf32, #tpu.memory_space<vmem>> -> memref<1x128x64xf32, #tpu.memory_space<vmem>>
        %dma_wait3A_225 = tpu.memref_squeeze %dma_wait3A_224 : memref<1x128x64xf32, #tpu.memory_space<vmem>> -> memref<128x64xf32, #tpu.memory_space<vmem>>
        %dma_wait3A_226 = arith.constant 0 : i32
        %dma_wait3A_227 = tpu.memref_slice %arg8[%add3A_126, %dma_wait3A_226] : memref<160x128xi32, #tpu.memory_space<vmem>> -> memref<1x128xi32, #tpu.memory_space<vmem>>
        %dma_wait3A_228 = tpu.memref_squeeze %dma_wait3A_227 : memref<1x128xi32, #tpu.memory_space<vmem>> -> memref<128xi32, #tpu.memory_space<vmem>>
        %dma_wait3A_229 = arith.constant 0 : i32
        %dma_wait3A_230 = arith.constant 0 : i32
        %dma_wait3A_231 = tpu.memref_slice %arg10[%dma_wait3A_229, %dma_wait3A_230] : memref<10112x64xf32, #tpu.memory_space<vmem_shared>> -> memref<10112x64xf32, #tpu.memory_space<vmem_shared>>
        tpu.wait_indirect_dma semaphore(%run_scoped3A_211 : memref<!tpu.dma_semaphore, #tpu.memory_space<semaphore_mem>>) src(%dma_wait3A_225 : memref<128x64xf32, #tpu.memory_space<vmem>>) dst(%dma_wait3A_231 : memref<10112x64xf32, #tpu.memory_space<vmem_shared>>)
        tpu.yield
      }) : () -> ()
      %dma_wait3A_127 = arith.constant 1 : i32
      %dma_wait3A_128 = arith.constant 1 : i32
      %dma_wait3A_129 = arith.constant 0 : i32
      %dma_wait3A_130 = arith.constant 0 : i32
      %dma_wait3A_131 = tpu.memref_slice %arg9[%dma_wait3A_127, %dma_wait3A_129, %dma_wait3A_130] : memref<5x128x64xf32, #tpu.memory_space<vmem>> -> memref<1x128x64xf32, #tpu.memory_space<vmem>>
      %dma_wait3A_132 = tpu.memref_squeeze %dma_wait3A_131 : memref<1x128x64xf32, #tpu.memory_space<vmem>> -> memref<128x64xf32, #tpu.memory_space<vmem>>
      %dma_wait3A_133 = arith.constant 0 : i32
      %dma_wait3A_134 = tpu.memref_slice %arg7[%add3A_29, %dma_wait3A_133] : memref<160x128xi32, #tpu.memory_space<vmem>> -> memref<1x128xi32, #tpu.memory_space<vmem>>
      %dma_wait3A_135 = tpu.memref_squeeze %dma_wait3A_134 : memref<1x128xi32, #tpu.memory_space<vmem>> -> memref<128xi32, #tpu.memory_space<vmem>>
      %dma_wait3A_136 = arith.constant 0 : i32
      %dma_wait3A_137 = arith.constant 0 : i32
      %dma_wait3A_138 = tpu.memref_slice %arg2[%arg0, %dma_wait3A_136, %dma_wait3A_137] : memref<2x10000x64xf32, #tpu.memory_space<hbm>> -> memref<1x10000x64xf32, #tpu.memory_space<hbm>>
      %dma_wait3A_139 = tpu.memref_squeeze %dma_wait3A_138 : memref<1x10000x64xf32, #tpu.memory_space<hbm>> -> memref<10000x64xf32, #tpu.memory_space<hbm>>
      %dma_wait3A_140 = arith.constant 0 : i32
      %dma_wait3A_141 = arith.constant 0 : i32
      %dma_wait3A_142 = tpu.memref_slice %dma_wait3A_139[%dma_wait3A_140, %dma_wait3A_141] : memref<10000x64xf32, #tpu.memory_space<hbm>> -> memref<10000x64xf32, #tpu.memory_space<hbm>>
      %dma_wait3A_143 = tpu.memref_slice %arg11[%dma_wait3A_128] : memref<5x!tpu.dma_semaphore, #tpu.memory_space<semaphore_mem>> -> memref<1x!tpu.dma_semaphore, #tpu.memory_space<semaphore_mem>>
      %dma_wait3A_144 = tpu.memref_squeeze %dma_wait3A_143 : memref<1x!tpu.dma_semaphore, #tpu.memory_space<semaphore_mem>> -> memref<!tpu.dma_semaphore, #tpu.memory_space<semaphore_mem>>
      tpu.wait_indirect_dma semaphore(%dma_wait3A_144 : memref<!tpu.dma_semaphore, #tpu.memory_space<semaphore_mem>>) src(%dma_wait3A_142 : memref<10000x64xf32, #tpu.memory_space<hbm>>) dst(%dma_wait3A_132 : memref<128x64xf32, #tpu.memory_space<vmem>>)
      %add3A_145 = arith.constant 1 : i32
      %add3A_146 = arith.addi %mul3A_9, %add3A_145 : i32
      %run_scoped3A_147 = arith.constant 1 : i32
      "tpu.region"() ({
        %run_scoped3A_211 = tpu.sem_alloc : memref<!tpu.dma_semaphore, #tpu.memory_space<semaphore_mem>>
        %dma_start3A_212 = arith.constant 0 : i32
        %dma_start3A_213 = arith.constant 0 : i32
        %dma_start3A_214 = tpu.memref_slice %arg9[%run_scoped3A_147, %dma_start3A_212, %dma_start3A_213] : memref<5x128x64xf32, #tpu.memory_space<vmem>> -> memref<1x128x64xf32, #tpu.memory_space<vmem>>
        %dma_start3A_215 = tpu.memref_squeeze %dma_start3A_214 : memref<1x128x64xf32, #tpu.memory_space<vmem>> -> memref<128x64xf32, #tpu.memory_space<vmem>>
        %dma_start3A_216 = arith.constant 0 : i32
        %dma_start3A_217 = tpu.memref_slice %arg8[%add3A_146, %dma_start3A_216] : memref<160x128xi32, #tpu.memory_space<vmem>> -> memref<1x128xi32, #tpu.memory_space<vmem>>
        %dma_start3A_218 = tpu.memref_squeeze %dma_start3A_217 : memref<1x128xi32, #tpu.memory_space<vmem>> -> memref<128xi32, #tpu.memory_space<vmem>>
        %dma_start3A_219 = arith.constant 0 : i32
        %dma_start3A_220 = arith.constant 0 : i32
        %dma_start3A_221 = tpu.memref_slice %arg10[%dma_start3A_219, %dma_start3A_220] : memref<10112x64xf32, #tpu.memory_space<vmem_shared>> -> memref<10112x64xf32, #tpu.memory_space<vmem_shared>>
        tpu.enqueue_indirect_dma source(%dma_start3A_215 : memref<128x64xf32, #tpu.memory_space<vmem>>) target(%dma_start3A_221 : memref<10112x64xf32, #tpu.memory_space<vmem_shared>>) offsets(%dma_start3A_218 : memref<128xi32, #tpu.memory_space<vmem>>) semaphore(%run_scoped3A_211 : memref<!tpu.dma_semaphore, #tpu.memory_space<semaphore_mem>>) {add = true}
        %dma_wait3A_222 = arith.constant 0 : i32
        %dma_wait3A_223 = arith.constant 0 : i32
        %dma_wait3A_224 = tpu.memref_slice %arg9[%run_scoped3A_147, %dma_wait3A_222, %dma_wait3A_223] : memref<5x128x64xf32, #tpu.memory_space<vmem>> -> memref<1x128x64xf32, #tpu.memory_space<vmem>>
        %dma_wait3A_225 = tpu.memref_squeeze %dma_wait3A_224 : memref<1x128x64xf32, #tpu.memory_space<vmem>> -> memref<128x64xf32, #tpu.memory_space<vmem>>
        %dma_wait3A_226 = arith.constant 0 : i32
        %dma_wait3A_227 = tpu.memref_slice %arg8[%add3A_146, %dma_wait3A_226] : memref<160x128xi32, #tpu.memory_space<vmem>> -> memref<1x128xi32, #tpu.memory_space<vmem>>
        %dma_wait3A_228 = tpu.memref_squeeze %dma_wait3A_227 : memref<1x128xi32, #tpu.memory_space<vmem>> -> memref<128xi32, #tpu.memory_space<vmem>>
        %dma_wait3A_229 = arith.constant 0 : i32
        %dma_wait3A_230 = arith.constant 0 : i32
        %dma_wait3A_231 = tpu.memref_slice %arg10[%dma_wait3A_229, %dma_wait3A_230] : memref<10112x64xf32, #tpu.memory_space<vmem_shared>> -> memref<10112x64xf32, #tpu.memory_space<vmem_shared>>
        tpu.wait_indirect_dma semaphore(%run_scoped3A_211 : memref<!tpu.dma_semaphore, #tpu.memory_space<semaphore_mem>>) src(%dma_wait3A_225 : memref<128x64xf32, #tpu.memory_space<vmem>>) dst(%dma_wait3A_231 : memref<10112x64xf32, #tpu.memory_space<vmem_shared>>)
        tpu.yield
      }) : () -> ()
      %dma_wait3A_148 = arith.constant 2 : i32
      %dma_wait3A_149 = arith.constant 2 : i32
      %dma_wait3A_150 = arith.constant 0 : i32
      %dma_wait3A_151 = arith.constant 0 : i32
      %dma_wait3A_152 = tpu.memref_slice %arg9[%dma_wait3A_148, %dma_wait3A_150, %dma_wait3A_151] : memref<5x128x64xf32, #tpu.memory_space<vmem>> -> memref<1x128x64xf32, #tpu.memory_space<vmem>>
      %dma_wait3A_153 = tpu.memref_squeeze %dma_wait3A_152 : memref<1x128x64xf32, #tpu.memory_space<vmem>> -> memref<128x64xf32, #tpu.memory_space<vmem>>
      %dma_wait3A_154 = arith.constant 0 : i32
      %dma_wait3A_155 = tpu.memref_slice %arg7[%add3A_49, %dma_wait3A_154] : memref<160x128xi32, #tpu.memory_space<vmem>> -> memref<1x128xi32, #tpu.memory_space<vmem>>
      %dma_wait3A_156 = tpu.memref_squeeze %dma_wait3A_155 : memref<1x128xi32, #tpu.memory_space<vmem>> -> memref<128xi32, #tpu.memory_space<vmem>>
      %dma_wait3A_157 = arith.constant 0 : i32
      %dma_wait3A_158 = arith.constant 0 : i32
      %dma_wait3A_159 = tpu.memref_slice %arg2[%arg0, %dma_wait3A_157, %dma_wait3A_158] : memref<2x10000x64xf32, #tpu.memory_space<hbm>> -> memref<1x10000x64xf32, #tpu.memory_space<hbm>>
      %dma_wait3A_160 = tpu.memref_squeeze %dma_wait3A_159 : memref<1x10000x64xf32, #tpu.memory_space<hbm>> -> memref<10000x64xf32, #tpu.memory_space<hbm>>
      %dma_wait3A_161 = arith.constant 0 : i32
      %dma_wait3A_162 = arith.constant 0 : i32
      %dma_wait3A_163 = tpu.memref_slice %dma_wait3A_160[%dma_wait3A_161, %dma_wait3A_162] : memref<10000x64xf32, #tpu.memory_space<hbm>> -> memref<10000x64xf32, #tpu.memory_space<hbm>>
      %dma_wait3A_164 = tpu.memref_slice %arg11[%dma_wait3A_149] : memref<5x!tpu.dma_semaphore, #tpu.memory_space<semaphore_mem>> -> memref<1x!tpu.dma_semaphore, #tpu.memory_space<semaphore_mem>>
      %dma_wait3A_165 = tpu.memref_squeeze %dma_wait3A_164 : memref<1x!tpu.dma_semaphore, #tpu.memory_space<semaphore_mem>> -> memref<!tpu.dma_semaphore, #tpu.memory_space<semaphore_mem>>
      tpu.wait_indirect_dma semaphore(%dma_wait3A_165 : memref<!tpu.dma_semaphore, #tpu.memory_space<semaphore_mem>>) src(%dma_wait3A_163 : memref<10000x64xf32, #tpu.memory_space<hbm>>) dst(%dma_wait3A_153 : memref<128x64xf32, #tpu.memory_space<vmem>>)
      %add3A_166 = arith.constant 2 : i32
      %add3A_167 = arith.addi %mul3A_9, %add3A_166 : i32
      %run_scoped3A_168 = arith.constant 2 : i32
      "tpu.region"() ({
        %run_scoped3A_211 = tpu.sem_alloc : memref<!tpu.dma_semaphore, #tpu.memory_space<semaphore_mem>>
        %dma_start3A_212 = arith.constant 0 : i32
        %dma_start3A_213 = arith.constant 0 : i32
        %dma_start3A_214 = tpu.memref_slice %arg9[%run_scoped3A_168, %dma_start3A_212, %dma_start3A_213] : memref<5x128x64xf32, #tpu.memory_space<vmem>> -> memref<1x128x64xf32, #tpu.memory_space<vmem>>
        %dma_start3A_215 = tpu.memref_squeeze %dma_start3A_214 : memref<1x128x64xf32, #tpu.memory_space<vmem>> -> memref<128x64xf32, #tpu.memory_space<vmem>>
        %dma_start3A_216 = arith.constant 0 : i32
        %dma_start3A_217 = tpu.memref_slice %arg8[%add3A_167, %dma_start3A_216] : memref<160x128xi32, #tpu.memory_space<vmem>> -> memref<1x128xi32, #tpu.memory_space<vmem>>
        %dma_start3A_218 = tpu.memref_squeeze %dma_start3A_217 : memref<1x128xi32, #tpu.memory_space<vmem>> -> memref<128xi32, #tpu.memory_space<vmem>>
        %dma_start3A_219 = arith.constant 0 : i32
        %dma_start3A_220 = arith.constant 0 : i32
        %dma_start3A_221 = tpu.memref_slice %arg10[%dma_start3A_219, %dma_start3A_220] : memref<10112x64xf32, #tpu.memory_space<vmem_shared>> -> memref<10112x64xf32, #tpu.memory_space<vmem_shared>>
        tpu.enqueue_indirect_dma source(%dma_start3A_215 : memref<128x64xf32, #tpu.memory_space<vmem>>) target(%dma_start3A_221 : memref<10112x64xf32, #tpu.memory_space<vmem_shared>>) offsets(%dma_start3A_218 : memref<128xi32, #tpu.memory_space<vmem>>) semaphore(%run_scoped3A_211 : memref<!tpu.dma_semaphore, #tpu.memory_space<semaphore_mem>>) {add = true}
        %dma_wait3A_222 = arith.constant 0 : i32
        %dma_wait3A_223 = arith.constant 0 : i32
        %dma_wait3A_224 = tpu.memref_slice %arg9[%run_scoped3A_168, %dma_wait3A_222, %dma_wait3A_223] : memref<5x128x64xf32, #tpu.memory_space<vmem>> -> memref<1x128x64xf32, #tpu.memory_space<vmem>>
        %dma_wait3A_225 = tpu.memref_squeeze %dma_wait3A_224 : memref<1x128x64xf32, #tpu.memory_space<vmem>> -> memref<128x64xf32, #tpu.memory_space<vmem>>
        %dma_wait3A_226 = arith.constant 0 : i32
        %dma_wait3A_227 = tpu.memref_slice %arg8[%add3A_167, %dma_wait3A_226] : memref<160x128xi32, #tpu.memory_space<vmem>> -> memref<1x128xi32, #tpu.memory_space<vmem>>
        %dma_wait3A_228 = tpu.memref_squeeze %dma_wait3A_227 : memref<1x128xi32, #tpu.memory_space<vmem>> -> memref<128xi32, #tpu.memory_space<vmem>>
        %dma_wait3A_229 = arith.constant 0 : i32
        %dma_wait3A_230 = arith.constant 0 : i32
        %dma_wait3A_231 = tpu.memref_slice %arg10[%dma_wait3A_229, %dma_wait3A_230] : memref<10112x64xf32, #tpu.memory_space<vmem_shared>> -> memref<10112x64xf32, #tpu.memory_space<vmem_shared>>
        tpu.wait_indirect_dma semaphore(%run_scoped3A_211 : memref<!tpu.dma_semaphore, #tpu.memory_space<semaphore_mem>>) src(%dma_wait3A_225 : memref<128x64xf32, #tpu.memory_space<vmem>>) dst(%dma_wait3A_231 : memref<10112x64xf32, #tpu.memory_space<vmem_shared>>)
        tpu.yield
      }) : () -> ()
      %dma_wait3A_169 = arith.constant 3 : i32
      %dma_wait3A_170 = arith.constant 3 : i32
      %dma_wait3A_171 = arith.constant 0 : i32
      %dma_wait3A_172 = arith.constant 0 : i32
      %dma_wait3A_173 = tpu.memref_slice %arg9[%dma_wait3A_169, %dma_wait3A_171, %dma_wait3A_172] : memref<5x128x64xf32, #tpu.memory_space<vmem>> -> memref<1x128x64xf32, #tpu.memory_space<vmem>>
      %dma_wait3A_174 = tpu.memref_squeeze %dma_wait3A_173 : memref<1x128x64xf32, #tpu.memory_space<vmem>> -> memref<128x64xf32, #tpu.memory_space<vmem>>
      %dma_wait3A_175 = arith.constant 0 : i32
      %dma_wait3A_176 = tpu.memref_slice %arg7[%add3A_69, %dma_wait3A_175] : memref<160x128xi32, #tpu.memory_space<vmem>> -> memref<1x128xi32, #tpu.memory_space<vmem>>
      %dma_wait3A_177 = tpu.memref_squeeze %dma_wait3A_176 : memref<1x128xi32, #tpu.memory_space<vmem>> -> memref<128xi32, #tpu.memory_space<vmem>>
      %dma_wait3A_178 = arith.constant 0 : i32
      %dma_wait3A_179 = arith.constant 0 : i32
      %dma_wait3A_180 = tpu.memref_slice %arg2[%arg0, %dma_wait3A_178, %dma_wait3A_179] : memref<2x10000x64xf32, #tpu.memory_space<hbm>> -> memref<1x10000x64xf32, #tpu.memory_space<hbm>>
      %dma_wait3A_181 = tpu.memref_squeeze %dma_wait3A_180 : memref<1x10000x64xf32, #tpu.memory_space<hbm>> -> memref<10000x64xf32, #tpu.memory_space<hbm>>
      %dma_wait3A_182 = arith.constant 0 : i32
      %dma_wait3A_183 = arith.constant 0 : i32
      %dma_wait3A_184 = tpu.memref_slice %dma_wait3A_181[%dma_wait3A_182, %dma_wait3A_183] : memref<10000x64xf32, #tpu.memory_space<hbm>> -> memref<10000x64xf32, #tpu.memory_space<hbm>>
      %dma_wait3A_185 = tpu.memref_slice %arg11[%dma_wait3A_170] : memref<5x!tpu.dma_semaphore, #tpu.memory_space<semaphore_mem>> -> memref<1x!tpu.dma_semaphore, #tpu.memory_space<semaphore_mem>>
      %dma_wait3A_186 = tpu.memref_squeeze %dma_wait3A_185 : memref<1x!tpu.dma_semaphore, #tpu.memory_space<semaphore_mem>> -> memref<!tpu.dma_semaphore, #tpu.memory_space<semaphore_mem>>
      tpu.wait_indirect_dma semaphore(%dma_wait3A_186 : memref<!tpu.dma_semaphore, #tpu.memory_space<semaphore_mem>>) src(%dma_wait3A_184 : memref<10000x64xf32, #tpu.memory_space<hbm>>) dst(%dma_wait3A_174 : memref<128x64xf32, #tpu.memory_space<vmem>>)
      %add3A_187 = arith.constant 3 : i32
      %add3A_188 = arith.addi %mul3A_9, %add3A_187 : i32
      %run_scoped3A_189 = arith.constant 3 : i32
      "tpu.region"() ({
        %run_scoped3A_211 = tpu.sem_alloc : memref<!tpu.dma_semaphore, #tpu.memory_space<semaphore_mem>>
        %dma_start3A_212 = arith.constant 0 : i32
        %dma_start3A_213 = arith.constant 0 : i32
        %dma_start3A_214 = tpu.memref_slice %arg9[%run_scoped3A_189, %dma_start3A_212, %dma_start3A_213] : memref<5x128x64xf32, #tpu.memory_space<vmem>> -> memref<1x128x64xf32, #tpu.memory_space<vmem>>
        %dma_start3A_215 = tpu.memref_squeeze %dma_start3A_214 : memref<1x128x64xf32, #tpu.memory_space<vmem>> -> memref<128x64xf32, #tpu.memory_space<vmem>>
        %dma_start3A_216 = arith.constant 0 : i32
        %dma_start3A_217 = tpu.memref_slice %arg8[%add3A_188, %dma_start3A_216] : memref<160x128xi32, #tpu.memory_space<vmem>> -> memref<1x128xi32, #tpu.memory_space<vmem>>
        %dma_start3A_218 = tpu.memref_squeeze %dma_start3A_217 : memref<1x128xi32, #tpu.memory_space<vmem>> -> memref<128xi32, #tpu.memory_space<vmem>>
        %dma_start3A_219 = arith.constant 0 : i32
        %dma_start3A_220 = arith.constant 0 : i32
        %dma_start3A_221 = tpu.memref_slice %arg10[%dma_start3A_219, %dma_start3A_220] : memref<10112x64xf32, #tpu.memory_space<vmem_shared>> -> memref<10112x64xf32, #tpu.memory_space<vmem_shared>>
        tpu.enqueue_indirect_dma source(%dma_start3A_215 : memref<128x64xf32, #tpu.memory_space<vmem>>) target(%dma_start3A_221 : memref<10112x64xf32, #tpu.memory_space<vmem_shared>>) offsets(%dma_start3A_218 : memref<128xi32, #tpu.memory_space<vmem>>) semaphore(%run_scoped3A_211 : memref<!tpu.dma_semaphore, #tpu.memory_space<semaphore_mem>>) {add = true}
        %dma_wait3A_222 = arith.constant 0 : i32
        %dma_wait3A_223 = arith.constant 0 : i32
        %dma_wait3A_224 = tpu.memref_slice %arg9[%run_scoped3A_189, %dma_wait3A_222, %dma_wait3A_223] : memref<5x128x64xf32, #tpu.memory_space<vmem>> -> memref<1x128x64xf32, #tpu.memory_space<vmem>>
        %dma_wait3A_225 = tpu.memref_squeeze %dma_wait3A_224 : memref<1x128x64xf32, #tpu.memory_space<vmem>> -> memref<128x64xf32, #tpu.memory_space<vmem>>
        %dma_wait3A_226 = arith.constant 0 : i32
        %dma_wait3A_227 = tpu.memref_slice %arg8[%add3A_188, %dma_wait3A_226] : memref<160x128xi32, #tpu.memory_space<vmem>> -> memref<1x128xi32, #tpu.memory_space<vmem>>
        %dma_wait3A_228 = tpu.memref_squeeze %dma_wait3A_227 : memref<1x128xi32, #tpu.memory_space<vmem>> -> memref<128xi32, #tpu.memory_space<vmem>>
        %dma_wait3A_229 = arith.constant 0 : i32
        %dma_wait3A_230 = arith.constant 0 : i32
        %dma_wait3A_231 = tpu.memref_slice %arg10[%dma_wait3A_229, %dma_wait3A_230] : memref<10112x64xf32, #tpu.memory_space<vmem_shared>> -> memref<10112x64xf32, #tpu.memory_space<vmem_shared>>
        tpu.wait_indirect_dma semaphore(%run_scoped3A_211 : memref<!tpu.dma_semaphore, #tpu.memory_space<semaphore_mem>>) src(%dma_wait3A_225 : memref<128x64xf32, #tpu.memory_space<vmem>>) dst(%dma_wait3A_231 : memref<10112x64xf32, #tpu.memory_space<vmem_shared>>)
        tpu.yield
      }) : () -> ()
      %dma_wait3A_190 = arith.constant 4 : i32
      %dma_wait3A_191 = arith.constant 4 : i32
      %dma_wait3A_192 = arith.constant 0 : i32
      %dma_wait3A_193 = arith.constant 0 : i32
      %dma_wait3A_194 = tpu.memref_slice %arg9[%dma_wait3A_190, %dma_wait3A_192, %dma_wait3A_193] : memref<5x128x64xf32, #tpu.memory_space<vmem>> -> memref<1x128x64xf32, #tpu.memory_space<vmem>>
      %dma_wait3A_195 = tpu.memref_squeeze %dma_wait3A_194 : memref<1x128x64xf32, #tpu.memory_space<vmem>> -> memref<128x64xf32, #tpu.memory_space<vmem>>
      %dma_wait3A_196 = arith.constant 0 : i32
      %dma_wait3A_197 = tpu.memref_slice %arg7[%add3A_89, %dma_wait3A_196] : memref<160x128xi32, #tpu.memory_space<vmem>> -> memref<1x128xi32, #tpu.memory_space<vmem>>
      %dma_wait3A_198 = tpu.memref_squeeze %dma_wait3A_197 : memref<1x128xi32, #tpu.memory_space<vmem>> -> memref<128xi32, #tpu.memory_space<vmem>>
      %dma_wait3A_199 = arith.constant 0 : i32
      %dma_wait3A_200 = arith.constant 0 : i32
      %dma_wait3A_201 = tpu.memref_slice %arg2[%arg0, %dma_wait3A_199, %dma_wait3A_200] : memref<2x10000x64xf32, #tpu.memory_space<hbm>> -> memref<1x10000x64xf32, #tpu.memory_space<hbm>>
      %dma_wait3A_202 = tpu.memref_squeeze %dma_wait3A_201 : memref<1x10000x64xf32, #tpu.memory_space<hbm>> -> memref<10000x64xf32, #tpu.memory_space<hbm>>
      %dma_wait3A_203 = arith.constant 0 : i32
      %dma_wait3A_204 = arith.constant 0 : i32
      %dma_wait3A_205 = tpu.memref_slice %dma_wait3A_202[%dma_wait3A_203, %dma_wait3A_204] : memref<10000x64xf32, #tpu.memory_space<hbm>> -> memref<10000x64xf32, #tpu.memory_space<hbm>>
      %dma_wait3A_206 = tpu.memref_slice %arg11[%dma_wait3A_191] : memref<5x!tpu.dma_semaphore, #tpu.memory_space<semaphore_mem>> -> memref<1x!tpu.dma_semaphore, #tpu.memory_space<semaphore_mem>>
      %dma_wait3A_207 = tpu.memref_squeeze %dma_wait3A_206 : memref<1x!tpu.dma_semaphore, #tpu.memory_space<semaphore_mem>> -> memref<!tpu.dma_semaphore, #tpu.memory_space<semaphore_mem>>
      tpu.wait_indirect_dma semaphore(%dma_wait3A_207 : memref<!tpu.dma_semaphore, #tpu.memory_space<semaphore_mem>>) src(%dma_wait3A_205 : memref<10000x64xf32, #tpu.memory_space<hbm>>) dst(%dma_wait3A_195 : memref<128x64xf32, #tpu.memory_space<vmem>>)
      %add3A_208 = arith.constant 4 : i32
      %add3A_209 = arith.addi %mul3A_9, %add3A_208 : i32
      %run_scoped3A_210 = arith.constant 4 : i32
      "tpu.region"() ({
        %run_scoped3A_211 = tpu.sem_alloc : memref<!tpu.dma_semaphore, #tpu.memory_space<semaphore_mem>>
        %dma_start3A_212 = arith.constant 0 : i32
        %dma_start3A_213 = arith.constant 0 : i32
        %dma_start3A_214 = tpu.memref_slice %arg9[%run_scoped3A_210, %dma_start3A_212, %dma_start3A_213] : memref<5x128x64xf32, #tpu.memory_space<vmem>> -> memref<1x128x64xf32, #tpu.memory_space<vmem>>
        %dma_start3A_215 = tpu.memref_squeeze %dma_start3A_214 : memref<1x128x64xf32, #tpu.memory_space<vmem>> -> memref<128x64xf32, #tpu.memory_space<vmem>>
        %dma_start3A_216 = arith.constant 0 : i32
        %dma_start3A_217 = tpu.memref_slice %arg8[%add3A_209, %dma_start3A_216] : memref<160x128xi32, #tpu.memory_space<vmem>> -> memref<1x128xi32, #tpu.memory_space<vmem>>
        %dma_start3A_218 = tpu.memref_squeeze %dma_start3A_217 : memref<1x128xi32, #tpu.memory_space<vmem>> -> memref<128xi32, #tpu.memory_space<vmem>>
        %dma_start3A_219 = arith.constant 0 : i32
        %dma_start3A_220 = arith.constant 0 : i32
        %dma_start3A_221 = tpu.memref_slice %arg10[%dma_start3A_219, %dma_start3A_220] : memref<10112x64xf32, #tpu.memory_space<vmem_shared>> -> memref<10112x64xf32, #tpu.memory_space<vmem_shared>>
        tpu.enqueue_indirect_dma source(%dma_start3A_215 : memref<128x64xf32, #tpu.memory_space<vmem>>) target(%dma_start3A_221 : memref<10112x64xf32, #tpu.memory_space<vmem_shared>>) offsets(%dma_start3A_218 : memref<128xi32, #tpu.memory_space<vmem>>) semaphore(%run_scoped3A_211 : memref<!tpu.dma_semaphore, #tpu.memory_space<semaphore_mem>>) {add = true}
        %dma_wait3A_222 = arith.constant 0 : i32
        %dma_wait3A_223 = arith.constant 0 : i32
        %dma_wait3A_224 = tpu.memref_slice %arg9[%run_scoped3A_210, %dma_wait3A_222, %dma_wait3A_223] : memref<5x128x64xf32, #tpu.memory_space<vmem>> -> memref<1x128x64xf32, #tpu.memory_space<vmem>>
        %dma_wait3A_225 = tpu.memref_squeeze %dma_wait3A_224 : memref<1x128x64xf32, #tpu.memory_space<vmem>> -> memref<128x64xf32, #tpu.memory_space<vmem>>
        %dma_wait3A_226 = arith.constant 0 : i32
        %dma_wait3A_227 = tpu.memref_slice %arg8[%add3A_209, %dma_wait3A_226] : memref<160x128xi32, #tpu.memory_space<vmem>> -> memref<1x128xi32, #tpu.memory_space<vmem>>
        %dma_wait3A_228 = tpu.memref_squeeze %dma_wait3A_227 : memref<1x128xi32, #tpu.memory_space<vmem>> -> memref<128xi32, #tpu.memory_space<vmem>>
        %dma_wait3A_229 = arith.constant 0 : i32
        %dma_wait3A_230 = arith.constant 0 : i32
        %dma_wait3A_231 = tpu.memref_slice %arg10[%dma_wait3A_229, %dma_wait3A_230] : memref<10112x64xf32, #tpu.memory_space<vmem_shared>> -> memref<10112x64xf32, #tpu.memory_space<vmem_shared>>
        tpu.wait_indirect_dma semaphore(%run_scoped3A_211 : memref<!tpu.dma_semaphore, #tpu.memory_space<semaphore_mem>>) src(%dma_wait3A_225 : memref<128x64xf32, #tpu.memory_space<vmem>>) dst(%dma_wait3A_231 : memref<10112x64xf32, #tpu.memory_space<vmem_shared>>)
        tpu.yield
      }) : () -> ()
    }
    %scan3A_5 = arith.constant 32 : i32
    %barrier3A_6 = arith.constant 0 : index
    tpu.barrier barrier_id(%barrier3A_6)
    "tpu.region"() ({
      %run_scoped3A = tpu.sem_alloc : memref<!tpu.dma_semaphore, #tpu.memory_space<semaphore_mem>>
      %dma_start3A = arith.constant 0 : i32
      %dma_start3A_7 = tpu.memref_slice %arg6[%arg0, %mul3A_0, %dma_start3A] : memref<2x10112x64xf32, #tpu.memory_space<hbm>> -> memref<1x632x64xf32, #tpu.memory_space<hbm>>
      %dma_start3A_8 = tpu.memref_squeeze %dma_start3A_7 : memref<1x632x64xf32, #tpu.memory_space<hbm>> -> memref<632x64xf32, #tpu.memory_space<hbm>>
      %dma_start3A_9 = arith.constant 0 : i32
      %dma_start3A_10 = tpu.memref_slice %arg10[%mul3A_0, %dma_start3A_9] : memref<10112x64xf32, #tpu.memory_space<vmem_shared>> -> memref<632x64xf32, #tpu.memory_space<vmem_shared>>
      tpu.enqueue_dma source(%dma_start3A_10 : memref<632x64xf32, #tpu.memory_space<vmem_shared>>) target(%dma_start3A_8 : memref<632x64xf32, #tpu.memory_space<hbm>>) target_semaphore(%run_scoped3A : memref<!tpu.dma_semaphore, #tpu.memory_space<semaphore_mem>>)
      %dma_wait3A = arith.constant 0 : i32
      %dma_wait3A_11 = tpu.memref_slice %arg6[%arg0, %mul3A_0, %dma_wait3A] : memref<2x10112x64xf32, #tpu.memory_space<hbm>> -> memref<1x632x64xf32, #tpu.memory_space<hbm>>
      %dma_wait3A_12 = tpu.memref_squeeze %dma_wait3A_11 : memref<1x632x64xf32, #tpu.memory_space<hbm>> -> memref<632x64xf32, #tpu.memory_space<hbm>>
      %dma_wait3A_13 = arith.constant 0 : i32
      %dma_wait3A_14 = tpu.memref_slice %arg10[%mul3A_0, %dma_wait3A_13] : memref<10112x64xf32, #tpu.memory_space<vmem_shared>> -> memref<632x64xf32, #tpu.memory_space<vmem_shared>>
      tpu.wait_dma2 semaphore(%run_scoped3A : memref<!tpu.dma_semaphore, #tpu.memory_space<semaphore_mem>>) src(%dma_wait3A_14 : memref<632x64xf32, #tpu.memory_space<vmem_shared>>) dst(%dma_wait3A_12 : memref<632x64xf32, #tpu.memory_space<hbm>>)
      tpu.yield
    }) : () -> ()
    return
  }
}

module attributes {stable_mosaic.version = 14 : i64} {
  func.func @body(%arg0: i32, %arg1: memref<2x2000x64xf32, #tpu.memory_space<vmem>>, %arg2: memref<2x2000x16xf32, #tpu.memory_space<vmem>>, %arg3: memref<2x2000x64xf32, #tpu.memory_space<vmem>>, %arg4: memref<256x128xf32, #tpu.memory_space<vmem>>, %arg5: memref<1x128xf32, #tpu.memory_space<vmem>>, %arg6: memref<2x2000x64xf32, #tpu.memory_space<vmem>>) attributes {dimension_semantics = [#tpu.dimension_semantics<arbitrary>], iteration_bounds = array<i64: 5>, scalar_prefetch = 0 : i64, scratch_operands = 0 : i64, tpu.core_type = #tpu.core_type<tc>, window_params = [{transform_indices = @transform_0, window_bounds = array<i64: 2, 2000, 64>}, {transform_indices = @transform_1, window_bounds = array<i64: 2, 2000, 16>}, {transform_indices = @transform_2, window_bounds = array<i64: 2, 2000, 64>}, {pipeline_mode = #tpu.pipeline_mode<synchronous>, transform_indices = @transform_3, window_bounds = array<i64: 256, 128>}, {pipeline_mode = #tpu.pipeline_mode<synchronous>, transform_indices = @transform_4, window_bounds = array<i64: 1, 128>}, {transform_indices = @transform_5, window_bounds = array<i64: 2, 2000, 64>}]} {
    %get3A = arith.constant 0 : index
    %get3A_0 = arith.constant 0 : index
    %get3A_1 = arith.constant 0 : index
    %get3A_2 = vector.load %arg1[%get3A, %get3A_0, %get3A_1] : memref<2x2000x64xf32, #tpu.memory_space<vmem>>, vector<1x2000x64xf32>
    %get3A_3 = vector.shape_cast %get3A_2 : vector<1x2000x64xf32> to vector<2000x64xf32>
    %get3A_4 = arith.constant 1 : index
    %get3A_5 = arith.constant 0 : index
    %get3A_6 = arith.constant 0 : index
    %get3A_7 = vector.load %arg1[%get3A_4, %get3A_5, %get3A_6] : memref<2x2000x64xf32, #tpu.memory_space<vmem>>, vector<1x2000x64xf32>
    %get3A_8 = vector.shape_cast %get3A_7 : vector<1x2000x64xf32> to vector<2000x64xf32>
    %concatenate3A = tpu.concatenate %get3A_3, %get3A_8 in 1 : vector<2000x64xf32>, vector<2000x64xf32> -> vector<2000x128xf32>
    %get3A_9 = arith.constant 0 : index
    %get3A_10 = arith.constant 0 : index
    %get3A_11 = arith.constant 0 : index
    %get3A_12 = vector.load %arg2[%get3A_9, %get3A_10, %get3A_11] : memref<2x2000x16xf32, #tpu.memory_space<vmem>>, vector<1x2000x1xf32>
    %get3A_13 = vector.shape_cast %get3A_12 : vector<1x2000x1xf32> to vector<2000x1xf32>
    %get3A_14 = arith.constant 1 : index
    %get3A_15 = arith.constant 0 : index
    %get3A_16 = arith.constant 0 : index
    %get3A_17 = vector.load %arg2[%get3A_14, %get3A_15, %get3A_16] : memref<2x2000x16xf32, #tpu.memory_space<vmem>>, vector<1x2000x1xf32>
    %get3A_18 = vector.shape_cast %get3A_17 : vector<1x2000x1xf32> to vector<2000x1xf32>
    %add3A = arith.addf %get3A_13, %get3A_18 : vector<2000x1xf32>
    %max3A = arith.constant 1.000000e+00 : f32
    %max3A_19 = vector.broadcast %max3A : f32 to vector<2000x1xf32>
    %max3A_20 = arith.maximumf %add3A, %max3A_19 : vector<2000x1xf32>
    %div3A = vector.broadcast %max3A_20 : vector<2000x1xf32> to vector<2000x128xf32>
    %div3A_21 = arith.divf %concatenate3A, %div3A : vector<2000x128xf32>
    %get3A_22 = arith.constant 0 : index
    %get3A_23 = arith.constant 0 : index
    %get3A_24 = arith.constant 0 : index
    %get3A_25 = vector.load %arg3[%get3A_22, %get3A_23, %get3A_24] : memref<2x2000x64xf32, #tpu.memory_space<vmem>>, vector<1x2000x64xf32>
    %get3A_26 = vector.shape_cast %get3A_25 : vector<1x2000x64xf32> to vector<2000x64xf32>
    %get3A_27 = arith.constant 1 : index
    %get3A_28 = arith.constant 0 : index
    %get3A_29 = arith.constant 0 : index
    %get3A_30 = vector.load %arg3[%get3A_27, %get3A_28, %get3A_29] : memref<2x2000x64xf32, #tpu.memory_space<vmem>>, vector<1x2000x64xf32>
    %get3A_31 = vector.shape_cast %get3A_30 : vector<1x2000x64xf32> to vector<2000x64xf32>
    %concatenate3A_32 = tpu.concatenate %get3A_26, %get3A_31 in 1 : vector<2000x64xf32>, vector<2000x64xf32> -> vector<2000x128xf32>
    %concatenate3A_33 = tpu.concatenate %div3A_21, %concatenate3A_32 in 1 : vector<2000x128xf32>, vector<2000x128xf32> -> vector<2000x256xf32>
    %get3A_34 = arith.constant 0 : index
    %get3A_35 = arith.constant 0 : index
    %get3A_36 = vector.load %arg4[%get3A_34, %get3A_35] : memref<256x128xf32, #tpu.memory_space<vmem>>, vector<256x128xf32>
    %dot_general3A = arith.constant dense<0.000000e+00> : vector<2000x128xf32>
    %dot_general3A_37 = tpu.matmul %concatenate3A_33, %get3A_36, %dot_general3A {dimension_numbers = #tpu.dot_dimension_numbers<[1], [0], [0], [1], [0, 0, 1, 1], [], []>, precision = #tpu.contract_precision<fp32>, transpose_lhs_hint = false} : vector<2000x256xf32>, vector<256x128xf32>, vector<2000x128xf32> -> vector<2000x128xf32>
    %get3A_38 = arith.constant 0 : index
    %get3A_39 = arith.constant 0 : index
    %get3A_40 = vector.load %arg5[%get3A_38, %get3A_39] : memref<1x128xf32, #tpu.memory_space<vmem>>, vector<1x128xf32>
    %add3A_41 = vector.broadcast %get3A_40 : vector<1x128xf32> to vector<2000x128xf32>
    %add3A_42 = arith.addf %dot_general3A_37, %add3A_41 : vector<2000x128xf32>
    %max3A_43 = arith.constant 0.000000e+00 : f32
    %max3A_44 = vector.broadcast %max3A_43 : f32 to vector<2000x128xf32>
    %max3A_45 = arith.maximumf %add3A_42, %max3A_44 : vector<2000x128xf32>
    %slice3A = vector.extract_strided_slice %max3A_45 {offsets = [0, 0], sizes = [2000, 64], strides = [1, 1]} : vector<2000x128xf32> to vector<2000x64xf32>
    %swap3A = arith.constant 0 : index
    %swap3A_46 = arith.constant 0 : index
    %swap3A_47 = arith.constant 0 : index
    %swap3A_48 = vector.load %arg6[%swap3A, %swap3A_46, %swap3A_47] : memref<2x2000x64xf32, #tpu.memory_space<vmem>>, vector<1x2000x64xf32>
    %swap3A_49 = vector.shape_cast %swap3A_48 : vector<1x2000x64xf32> to vector<2000x64xf32>
    %swap3A_50 = vector.shape_cast %slice3A : vector<2000x64xf32> to vector<1x2000x64xf32>
    tpu.vector_store %arg6[%swap3A, %swap3A_46, %swap3A_47], %swap3A_50 {strides = array<i32>} : memref<2x2000x64xf32, #tpu.memory_space<vmem>>, vector<1x2000x64xf32>,
    %slice3A_51 = vector.extract_strided_slice %max3A_45 {offsets = [0, 64], sizes = [2000, 64], strides = [1, 1]} : vector<2000x128xf32> to vector<2000x64xf32>
    %swap3A_52 = arith.constant 1 : index
    %swap3A_53 = arith.constant 0 : index
    %swap3A_54 = arith.constant 0 : index
    %swap3A_55 = vector.load %arg6[%swap3A_52, %swap3A_53, %swap3A_54] : memref<2x2000x64xf32, #tpu.memory_space<vmem>>, vector<1x2000x64xf32>
    %swap3A_56 = vector.shape_cast %swap3A_55 : vector<1x2000x64xf32> to vector<2000x64xf32>
    %swap3A_57 = vector.shape_cast %slice3A_51 : vector<2000x64xf32> to vector<1x2000x64xf32>
    tpu.vector_store %arg6[%swap3A_52, %swap3A_53, %swap3A_54], %swap3A_57 {strides = array<i32>} : memref<2x2000x64xf32, #tpu.memory_space<vmem>>, vector<1x2000x64xf32>,
    return
  }
  func.func @transform_0(%arg0: i32) -> (i32, i32, i32) {
    %c0_i32 = arith.constant 0 : i32
    %c0_i32_0 = arith.constant 0 : i32
    %c0_i32_1 = arith.constant 0 : i32
    return %c0_i32, %arg0, %c0_i32_0 : i32, i32, i32
  }
  func.func @transform_1(%arg0: i32) -> (i32, i32, i32) {
    %c0_i32 = arith.constant 0 : i32
    %c0_i32_0 = arith.constant 0 : i32
    %c0_i32_1 = arith.constant 0 : i32
    return %c0_i32, %arg0, %c0_i32_0 : i32, i32, i32
  }
  func.func @transform_2(%arg0: i32) -> (i32, i32, i32) {
    %c0_i32 = arith.constant 0 : i32
    %c0_i32_0 = arith.constant 0 : i32
    %c0_i32_1 = arith.constant 0 : i32
    return %c0_i32, %arg0, %c0_i32_0 : i32, i32, i32
  }
  func.func @transform_3(%arg0: i32) -> (i32, i32) {
    %c0_i32 = arith.constant 0 : i32
    %c0_i32_0 = arith.constant 0 : i32
    %c0_i32_1 = arith.constant 0 : i32
    return %c0_i32, %c0_i32_0 : i32, i32
  }
  func.func @transform_4(%arg0: i32) -> (i32, i32) {
    %c0_i32 = arith.constant 0 : i32
    %c0_i32_0 = arith.constant 0 : i32
    %c0_i32_1 = arith.constant 0 : i32
    return %c0_i32, %c0_i32_0 : i32, i32
  }
  func.func @transform_5(%arg0: i32) -> (i32, i32, i32) {
    %c0_i32 = arith.constant 0 : i32
    %c0_i32_0 = arith.constant 0 : i32
    %c0_i32_1 = arith.constant 0 : i32
    return %c0_i32, %arg0, %c0_i32_0 : i32, i32, i32
  }
}

module attributes {stable_mosaic.version = 14 : i64} {
  func.func @body(%arg0: i32, %arg1: memref<2x2000x64xf32, #tpu.memory_space<vmem>>, %arg2: memref<2x2000x16xf32, #tpu.memory_space<vmem>>, %arg3: memref<2x2000x64xf32, #tpu.memory_space<vmem>>, %arg4: memref<256x128xf32, #tpu.memory_space<vmem>>, %arg5: memref<1x128xf32, #tpu.memory_space<vmem>>, %arg6: memref<2000x128xf32, #tpu.memory_space<vmem>>) attributes {dimension_semantics = [#tpu.dimension_semantics<arbitrary>], iteration_bounds = array<i64: 5>, scalar_prefetch = 0 : i64, scratch_operands = 0 : i64, tpu.core_type = #tpu.core_type<tc>, window_params = [{transform_indices = @transform_0, window_bounds = array<i64: 2, 2000, 64>}, {transform_indices = @transform_1, window_bounds = array<i64: 2, 2000, 16>}, {transform_indices = @transform_2, window_bounds = array<i64: 2, 2000, 64>}, {pipeline_mode = #tpu.pipeline_mode<synchronous>, transform_indices = @transform_3, window_bounds = array<i64: 256, 128>}, {pipeline_mode = #tpu.pipeline_mode<synchronous>, transform_indices = @transform_4, window_bounds = array<i64: 1, 128>}, {transform_indices = @transform_5, window_bounds = array<i64: 2000, 128>}]} {
    %get3A = arith.constant 0 : index
    %get3A_0 = arith.constant 0 : index
    %get3A_1 = arith.constant 0 : index
    %get3A_2 = vector.load %arg1[%get3A, %get3A_0, %get3A_1] : memref<2x2000x64xf32, #tpu.memory_space<vmem>>, vector<1x2000x64xf32>
    %get3A_3 = vector.shape_cast %get3A_2 : vector<1x2000x64xf32> to vector<2000x64xf32>
    %get3A_4 = arith.constant 1 : index
    %get3A_5 = arith.constant 0 : index
    %get3A_6 = arith.constant 0 : index
    %get3A_7 = vector.load %arg1[%get3A_4, %get3A_5, %get3A_6] : memref<2x2000x64xf32, #tpu.memory_space<vmem>>, vector<1x2000x64xf32>
    %get3A_8 = vector.shape_cast %get3A_7 : vector<1x2000x64xf32> to vector<2000x64xf32>
    %concatenate3A = tpu.concatenate %get3A_3, %get3A_8 in 1 : vector<2000x64xf32>, vector<2000x64xf32> -> vector<2000x128xf32>
    %get3A_9 = arith.constant 0 : index
    %get3A_10 = arith.constant 0 : index
    %get3A_11 = arith.constant 0 : index
    %get3A_12 = vector.load %arg2[%get3A_9, %get3A_10, %get3A_11] : memref<2x2000x16xf32, #tpu.memory_space<vmem>>, vector<1x2000x1xf32>
    %get3A_13 = vector.shape_cast %get3A_12 : vector<1x2000x1xf32> to vector<2000x1xf32>
    %get3A_14 = arith.constant 1 : index
    %get3A_15 = arith.constant 0 : index
    %get3A_16 = arith.constant 0 : index
    %get3A_17 = vector.load %arg2[%get3A_14, %get3A_15, %get3A_16] : memref<2x2000x16xf32, #tpu.memory_space<vmem>>, vector<1x2000x1xf32>
    %get3A_18 = vector.shape_cast %get3A_17 : vector<1x2000x1xf32> to vector<2000x1xf32>
    %add3A = arith.addf %get3A_13, %get3A_18 : vector<2000x1xf32>
    %max3A = arith.constant 1.000000e+00 : f32
    %max3A_19 = vector.broadcast %max3A : f32 to vector<2000x1xf32>
    %max3A_20 = arith.maximumf %add3A, %max3A_19 : vector<2000x1xf32>
    %div3A = vector.broadcast %max3A_20 : vector<2000x1xf32> to vector<2000x128xf32>
    %div3A_21 = arith.divf %concatenate3A, %div3A : vector<2000x128xf32>
    %get3A_22 = arith.constant 0 : index
    %get3A_23 = arith.constant 0 : index
    %get3A_24 = arith.constant 0 : index
    %get3A_25 = vector.load %arg3[%get3A_22, %get3A_23, %get3A_24] : memref<2x2000x64xf32, #tpu.memory_space<vmem>>, vector<1x2000x64xf32>
    %get3A_26 = vector.shape_cast %get3A_25 : vector<1x2000x64xf32> to vector<2000x64xf32>
    %get3A_27 = arith.constant 1 : index
    %get3A_28 = arith.constant 0 : index
    %get3A_29 = arith.constant 0 : index
    %get3A_30 = vector.load %arg3[%get3A_27, %get3A_28, %get3A_29] : memref<2x2000x64xf32, #tpu.memory_space<vmem>>, vector<1x2000x64xf32>
    %get3A_31 = vector.shape_cast %get3A_30 : vector<1x2000x64xf32> to vector<2000x64xf32>
    %concatenate3A_32 = tpu.concatenate %get3A_26, %get3A_31 in 1 : vector<2000x64xf32>, vector<2000x64xf32> -> vector<2000x128xf32>
    %concatenate3A_33 = tpu.concatenate %div3A_21, %concatenate3A_32 in 1 : vector<2000x128xf32>, vector<2000x128xf32> -> vector<2000x256xf32>
    %get3A_34 = arith.constant 0 : index
    %get3A_35 = arith.constant 0 : index
    %get3A_36 = vector.load %arg4[%get3A_34, %get3A_35] : memref<256x128xf32, #tpu.memory_space<vmem>>, vector<256x128xf32>
    %dot_general3A = arith.constant dense<0.000000e+00> : vector<2000x128xf32>
    %dot_general3A_37 = tpu.matmul %concatenate3A_33, %get3A_36, %dot_general3A {dimension_numbers = #tpu.dot_dimension_numbers<[1], [0], [0], [1], [0, 0, 1, 1], [], []>, precision = #tpu.contract_precision<fp32>, transpose_lhs_hint = false} : vector<2000x256xf32>, vector<256x128xf32>, vector<2000x128xf32> -> vector<2000x128xf32>
    %get3A_38 = arith.constant 0 : index
    %get3A_39 = arith.constant 0 : index
    %get3A_40 = vector.load %arg5[%get3A_38, %get3A_39] : memref<1x128xf32, #tpu.memory_space<vmem>>, vector<1x128xf32>
    %add3A_41 = vector.broadcast %get3A_40 : vector<1x128xf32> to vector<2000x128xf32>
    %add3A_42 = arith.addf %dot_general3A_37, %add3A_41 : vector<2000x128xf32>
    %max3A_43 = arith.constant 0.000000e+00 : f32
    %max3A_44 = vector.broadcast %max3A_43 : f32 to vector<2000x128xf32>
    %max3A_45 = arith.maximumf %add3A_42, %max3A_44 : vector<2000x128xf32>
    %swap3A = arith.constant 0 : index
    %swap3A_46 = arith.constant 0 : index
    %swap3A_47 = vector.load %arg6[%swap3A, %swap3A_46] : memref<2000x128xf32, #tpu.memory_space<vmem>>, vector<2000x128xf32>
    tpu.vector_store %arg6[%swap3A, %swap3A_46], %max3A_45 {strides = array<i32>} : memref<2000x128xf32, #tpu.memory_space<vmem>>, vector<2000x128xf32>,
    return
  }
  func.func @transform_0(%arg0: i32) -> (i32, i32, i32) {
    %c0_i32 = arith.constant 0 : i32
    %c0_i32_0 = arith.constant 0 : i32
    %c0_i32_1 = arith.constant 0 : i32
    return %c0_i32, %arg0, %c0_i32_0 : i32, i32, i32
  }
  func.func @transform_1(%arg0: i32) -> (i32, i32, i32) {
    %c0_i32 = arith.constant 0 : i32
    %c0_i32_0 = arith.constant 0 : i32
    %c0_i32_1 = arith.constant 0 : i32
    return %c0_i32, %arg0, %c0_i32_0 : i32, i32, i32
  }
  func.func @transform_2(%arg0: i32) -> (i32, i32, i32) {
    %c0_i32 = arith.constant 0 : i32
    %c0_i32_0 = arith.constant 0 : i32
    %c0_i32_1 = arith.constant 0 : i32
    return %c0_i32, %arg0, %c0_i32_0 : i32, i32, i32
  }
  func.func @transform_3(%arg0: i32) -> (i32, i32) {
    %c0_i32 = arith.constant 0 : i32
    %c0_i32_0 = arith.constant 0 : i32
    %c0_i32_1 = arith.constant 0 : i32
    return %c0_i32, %c0_i32_0 : i32, i32
  }
  func.func @transform_4(%arg0: i32) -> (i32, i32) {
    %c0_i32 = arith.constant 0 : i32
    %c0_i32_0 = arith.constant 0 : i32
    %c0_i32_1 = arith.constant 0 : i32
    return %c0_i32, %c0_i32_0 : i32, i32
  }
  func.func @transform_5(%arg0: i32) -> (i32, i32) {
    %c0_i32 = arith.constant 0 : i32
    %c0_i32_0 = arith.constant 0 : i32
    return %arg0, %c0_i32 : i32, i32
  }
}

</mosaic_0001>

<sc_bundles>
// kernel: kernel.10.cloned.1.call-start
scs
__scs_entry_jumppad:
0x0: {  	(pc) =	sbr.rel $0x88, $3  }
0x1: {  	(tag) =	ssettag $0x0;
	lr =	simm.s32 $0x1  }
0x2: {  	[smem:$0x3F99] =	sst lr;
	_ =	strace $0xD0000000  }
0x3: {  	_ = 	snop  }
0x4: {  	_ = 	snop  }
0x5: {  	_ = 	snop  }
0x6: {  	_ = 	snop  }
0x7: {  	_ = 	snop  }
__scs_overlays_trampoline_lowered:
0x8: {  	[smem:$0x3FA8] =	sst s0  }
0x9: {  	[smem:$0x3FA9] =	sst s1  }
0xa: {  	[smem:$0x3FAA] =	sst s2  }
0xb: {  	[smem:$0x3FAB] =	sst s3  }
0xc: {  	[smem:$0x3FAC] =	sst s4  }
0xd: {  	[smem:$0x3FAD] =	sst s5  }
0xe: {  	[smem:$0x3FAE] =	sst s6  }
0xf: {  	[smem:$0x3FAF] =	sst s7  }
0x10: {  	[smem:$0x3FB0] =	sst s8  }
0x11: {  	[smem:$0x3FB1] =	sst s9;
	s0 =	simm.s32 @!p0 $0x0  }
0x12: {  	s1 =	sld [smem:$0x3F97];
	s0 =	simm.s32 @p0 $0x1  }
0x13: {  	[smem:$0x3FB2] =	sst s0;
	s0 =	simm.s32 @!p1 $0x0  }
0x14: {  	s2 =	sld [smem:$0x3F96];
	s0 =	simm.s32 @p1 $0x1  }
0x15: {  	[smem:$0x3FB3] =	sst s0;
	s0 =	simm.s32 @!p2 $0x0  }
0x16: {  	s3 =	sld [smem:$0x3FDB];
	s0 =	simm.s32 @p2 $0x1  }
0x17: {  	s4 =	simm.s32 $0x1BF5;
	[smem:$0x3FB5] =	sst s0  }
0x18: {  	s0 =	sld [smem:$0x3F98];
	_ =	swait.ge [sflag:s4], $0x0  }
0x19: {  	s7 =	sld [smem:$0x3F99]  }
0x1a: {  	s8 =	sadd.s32 $0xFFFFE003, lr  }
0x1b: {  	s9 =	sadd.s32 $0xFFFFFEF7, lr;
	s5 =	simm.s32 $0xFFFFFFFF;
	p2 =	slt.u32 s8, $0xFFFFF086  }
0x1c: {  	p1 =	slt.u32 s9, $0xF7A;
	s5 =	simm.s32 @!p2 $0x0  }
0x1d: {  	s5 =	simm.s32 @p1 $0x1;
	p0 =	seq.s32 s7, s2  }
0x1e: {  	s7 =	smul.u32 @!p0 $0xF7A, s2;
	p2 =	seq.s32 @!p0 s5, $0x0  }
0x1f: {  	s9 =	smul.u32 $0xF7A, s1;
	s8 =	simm.s32 @!p0 $0x1BF5;
	p2 =	por !p2, p0  }
0x20: {  	[sflag:s8] =	ssyncset.s32 @!p0 $0xFFFFF086;
	s6 =	sadd.s32 @!p0 s3, s7;
	s7 =	simm.s32 @!p0 $0x108  }
0x21: {  	s3 =	sadd.s32 s3, s9;
	s6 =	sadd.s32 @!p0 $0x88, s6;
	s7 =	simm.s32 @p2 $0x1082  }
0x22: {  	[simem:s7], [sflag:s8] =	dma.local @!p0 [hbm:s6], $0xF7A  }
0x23: {  	s9 =	sor.u32 $0xD0000000, s2;
	s6 =	simm.s32 $0x108;
	_ =	swait.ge @!p0 [sflag:s8], $0x0  }
0x24: {  	s3 =	sadd.s32 $0x88, s3;
	s6 =	simm.s32 @!p1 $0x1082;
	[sflag:s4] =	ssyncset.s32 $0xFFFFF086  }
0x25: {  	[simem:s6], [sflag:s4] =	dma.local [hbm:s3], $0xF7A  }
0x26: {  	[smem:$0x3F99] =	sst s1;
	(tag) =	ssettag s2;
	_ =	strace s9  }
0x27: {  	s1 =	sld [smem:$0x3FA9]  }
0x28: {  	s2 =	sld [smem:$0x3FAA]  }
0x29: {  	s4 =	sld [smem:$0x3FAC]  }
0x2a: {  	p0 =	seq.s32 s5, $0x0;
	s5 =	sld [smem:$0x3FAD]  }
0x2b: {  	s6 =	sld [smem:$0x3FAE]  }
0x2c: {  	s7 =	sld [smem:$0x3FAF]  }
0x2d: {  	s3 =	simm.s32 $0x108;
	s8 =	sld [smem:$0x3FB0]  }
0x2e: {  	s3 =	simm.s32 @!p0 $0x1082;
	s9 =	sld [smem:$0x3FB1]  }
0x2f: {  	lr =	sadd.s32 s0, s3;
	s0 =	sld [smem:$0x3FA8]  }
0x30: {  	s3 =	sld [smem:$0x3FAB]  }
0x31: {  	[smem:$0x3FB4] =	sst s10  }
0x32: {  	s10 =	sld [smem:$0x3FB2];
	_ =	sdelay $0x3  }
0x33: {  	p0 =	seq.s32 s10, $0x1;
	s10 =	sld [smem:$0x3FB4];
	_ =	sdelay $0x3  }
0x34: {  	[smem:$0x3FB4] =	sst s10  }
0x35: {  	s10 =	sld [smem:$0x3FB3];
	_ =	sdelay $0x3  }
0x36: {  	p1 =	seq.s32 s10, $0x1;
	s10 =	sld [smem:$0x3FB4];
	_ =	sdelay $0x3  }
0x37: {  	[smem:$0x3FB4] =	sst s10  }
0x38: {  	s10 =	sld [smem:$0x3FB5]  }
0x39: {  	_ = 	snop;
	(pc) =	sbr.ind lr, $3  }
0x3a: {  	_ = 	snop  }
0x3b: {  	_ = 	snop  }
0x3c: {  	p2 =	seq.s32 s10, $0x1;
	s10 =	sld [smem:$0x3FB4]  }
0x3d: {  	_ =	shalt  }
0x3e: {  	_ =	shalt  }
0x3f: {  	_ =	shalt  }
0x40: {  	_ =	shalt  }
0x41: {  	_ =	shalt  }
0x42: {  	_ =	shalt  }
0x43: {  	_ =	shalt  }
0x44: {  	_ =	shalt  }
0x45: {  	_ =	shalt  }
0x46: {  	_ =	shalt  }
0x47: {  	_ =	shalt  }
0x48: {  	_ =	shalt  }
0x49: {  	_ =	shalt  }
0x4a: {  	_ =	shalt  }
0x4b: {  	_ =	shalt  }
0x4c: {  	_ =	shalt  }
0x4d: {  	_ =	shalt  }
0x4e: {  	_ =	shalt  }
0x4f: {  	_ =	shalt  }
0x50: {  	_ =	shalt  }
0x51: {  	_ =	shalt  }
0x52: {  	_ =	shalt  }
0x53: {  	_ =	shalt  }
0x54: {  	_ =	shalt  }
0x55: {  	_ =	shalt  }
0x56: {  	_ =	shalt  }
0x57: {  	_ =	shalt  }
0x58: {  	_ =	shalt  }
0x59: {  	_ =	shalt  }
0x5a: {  	_ =	shalt  }
0x5b: {  	_ =	shalt  }
0x5c: {  	_ =	shalt  }
0x5d: {  	_ =	shalt  }
0x5e: {  	_ =	shalt  }
0x5f: {  	_ =	shalt  }
0x60: {  	_ =	shalt  }
0x61: {  	_ =	shalt  }
0x62: {  	_ =	shalt  }
0x63: {  	_ =	shalt  }
0x64: {  	_ =	shalt  }
0x65: {  	_ =	shalt  }
0x66: {  	_ =	shalt  }
0x67: {  	_ =	shalt  }
0x68: {  	_ =	shalt  }
0x69: {  	_ =	shalt  }
0x6a: {  	_ =	shalt  }
0x6b: {  	_ =	shalt  }
0x6c: {  	_ =	shalt  }
0x6d: {  	_ =	shalt  }
0x6e: {  	_ =	shalt  }
0x6f: {  	_ =	shalt  }
0x70: {  	_ =	shalt  }
0x71: {  	_ =	shalt  }
0x72: {  	_ =	shalt  }
0x73: {  	_ =	shalt  }
0x74: {  	_ =	shalt  }
0x75: {  	_ =	shalt  }
0x76: {  	_ =	shalt  }
0x77: {  	_ =	shalt  }
0x78: {  	_ =	shalt  }
0x79: {  	_ =	shalt  }
0x7a: {  	_ =	shalt  }
0x7b: {  	_ =	shalt  }
0x7c: {  	_ =	shalt  }
0x7d: {  	_ =	shalt  }
0x7e: {  	_ =	shalt  }
0x7f: {  	_ =	shalt  }
0x80: {  	_ =	shalt  }
0x81: {  	_ =	shalt  }
0x82: {  	_ =	shalt  }
0x83: {  	_ =	shalt  }
0x84: {  	_ =	shalt  }
0x85: {  	_ =	shalt  }
0x86: {  	_ =	shalt  }
0x87: {  	_ =	shalt  }
.Lfunc_end0:
.L_simem_size_0:
called_computation.1_lowered:
.L_overlay_start_0:
0x88: {  	s2 =	sld [smem:$0x3FD9]  }
0x89: {  	s3 =	sld [smem:$0x3FFE];
	_ =	sdelay $0x1  }
0x8a: {  	s1 =	srdreg.scid  }
0x8b: {  	s0 =	sand.u32 $0x1, s1  }
0x8c: {  	s17 =	sshll.u32 s0, $0xA;
	s2 =	sadd.s32 s3, s2  }
0x8d: {  	s2 =	sadd.s32 s2, s17  }
0x8e: {  	[smem:$0x3FC0] =	sst s2  }
0x8f: {  	_ = 	snop  }
0x90: {  	s2 =	sld [smem:$0x3FD0];
	(tm) =	ssettm $0x1  }
0x91: {  	s18 =	sld [smem:$0x3FFB];
	_ =	sdelay $0x3  }
0x92: {  	_ =	strace s18  }
0x93: {  	s3 =	sld [smem:$0x3FFC];
	_ =	sdelay $0x3  }
0x94: {  	_ =	strace s3  }
0x95: {  	s3 =	sld [smem:$0x3FFD];
	_ =	sdelay $0x3  }
0x96: {  	_ =	strace s3  }
0x97: {  	_ =	strace $0x8FFFFFFF  }
0x98: {  	s19 =	sld [smem:$0x3FDB];
	_ =	sdelay $0x1  }
0x99: {  	s4 =	simm.s32 $_scs_section_size  }
0x9a: {  	s5 =	simm.s32 $_size__tile_overlayer_lowered;
	s6 =	simm.s32 $_tile_overlayer_lowered  }
0x9b: {  	s22 =	simm.s32 $0x1BFF;
	s21 =	sshll.u32 s6, $0x1;
	s3 =	sadd.s32 s4, s19  }
0x9c: {  	s7 =	simm.s32 $0x0;
	s20 =	sshll.u32 s5, $0x1;
	s5 =	sadd.s32 s21, s3  }
0x9d: {  	[timem:s7], [sflag:s22] =	dma.local [hbm:s5], s20  }
0x9e: {  	_ =	swait.ge [sflag:s22], s20  }
0x9f: {  	s4 =	ssub.s32 $0x0, s20;
	[sflag:s22] =	ssyncset.done $0x0  }
0xa0: {  	[sflag:s22] =	ssyncadd.s32 s4;
	_ =	sdelay $0x1  }
0xa1: {  	s23 =	simm.s32 $0x1B8B  }
0xa2: {  	_ =	swait.ge [sflag:s23], $0x1  }
0xa3: {  	[sflag:s23] =	ssyncset.done $0x0  }
0xa4: {  	s25 =	simm.s32 $0x1B8E;
	s24 =	sld [smem:$0x3FFE];
	[sflag:s23] =	ssyncadd.s32 $0xFFFFFFFF  }
0xa5: {  	s26 =	simm.s32 $execute0_lowered;
	[smem:$0x3FD2] =	sst s25  }
0xa6: {  	s5 =	sshll.u32 s26, $0x1;
	_ =	strace $0x80000046;
	[dreg:$0x1] =	wrdreg $0xFFFFFFFF  }
0xa7: {  	s28 =	simm.s32 $_size_execute0_lowered;
	s3 =	sadd.s32 s3, s5;
	[dreg:$0x0] =	wrdreg $0x0  }
0xa8: {  	s5 =	sshll.u32 s28, $0x1;
	[dreg:$0x2] =	wrdreg s3  }
0xa9: {  	[dreg:$0x3] =	wrdreg s5  }
0xaa: {  	[dreg:$0x4] =	wrdreg $0xC0  }
0xab: {  	_ =	task [dreg:s7], $0x5FFFF  }
0xac: {  	[dreg:$0x1] =	wrdreg $0xFFFFFFFF  }
0xad: {  	[dreg:$0x0] =	wrdreg $0x60  }
0xae: {  	[dreg:$0x2] =	wrdreg s2  }
0xaf: {  	[dreg:$0x3] =	wrdreg s24  }
0xb0: {  	[dreg:$0x4] =	wrdreg $0x140000  }
0xb1: {  	[dreg:$0x5] =	wrdreg $0xA  }
0xb2: {  	_ =	task.clear_ibuf [dreg:s7], $0x6FFFF;
	_ =	strace $0x90000046  }
0xb3: {  	s29 =	simm.s32 $0xA;
	_ =	strace $0x80000048  }
0xb4: {  	_ =	swait.ge [sflag:s29], $0x1  }
0xb5: {  	[sflag:s29] =	ssyncadd.s32 $0xFFFFFFFF  }
0xb6: {  	_ =	strace $0x90000048  }
0xb7: {  	_ =	sfence  }
0xb8: {  	s30 =	sld [smem:$0x0];
	_ =	sdelay $0x2  }
0xb9: {  	s31 =	sshll.u32 s1, $0xD;
	s1 =	sshrl.u32 s1, $0x2  }
0xba: {  	s3 =	sand.u32 $0x4000, s31;
	s1 =	sadd.s32 s1, s30  }
0xbb: {  	s0 =	sor.u32 s3, s0;
	s1 =	sshll.u32 s1, $0x11  }
0xbc: {  	s0 =	sor.u32 s1, s0  }
0xbd: {  	s0 =	sadd.s32 $0x8F2B, s0  }
0xbe: {  	[sflag:s0] =	ssyncadd.remote.s32 $0x1  }
0xbf: {  	_ =	sfence.sel $0xFFFF  }
0xc0: {  	[dreg:$0x0] =	wrdreg $0xFFFFFFFF;
	(pc) =	sbr.abs _section_cstart, $3  }
0xc1: {  	[dreg:$0x1] =	wrdreg $0xFFFFFFFF  }
0xc2: {  	_ =	task.clear_ibuf [dreg:s7], $0x2FFFF;
	_ =	strace $0x9FFFFFFF  }
0xc3: {  	(tm) =	ssettm $0x7FFFFFFF  }
tec
execute0_lowered:
.L_overlay_start_1:
0x0: {  	(tag) =	ssettag $0x1  }
0x1: {  	s7 =	rddreg [dreg:$0x0]  }
0x2: {  	s4 =	rddreg [dreg:$0x1]  }
0x3: {  	s2 =	rddreg [dreg:$0x2]  }
0x4: {  	s0 =	rddreg [dreg:$0x3];
	s1 =	stileid.u32  }
0x5: {  	s6 =	srdreg.scid;
	s3 =	simm.s32 $0x0;
	s14 =	simm.s32 $0x80  }
0x6: {  	s15 =	simm.s32 $0xA000;
	s16 =	simm.s32 $0xC000;
	s17 =	simm.s32 $0xE000  }
0x7: {  	s18 =	simm.s32 $0x10000;
	s19 =	simm.s32 $0x12000;
	s20 =	simm.s32 $0x1  }
0x8: {  	s21 =	simm.s32 $0x2;
	s22 =	simm.s32 $0x3;
	s23 =	simm.s32 $0x4  }
0x9: {  	s24 =	simm.s32 $0x5;
	s25 =	simm.s32 $0x0;
	s5 =	smul.u32 $0xA00, s1  }
0xa: {  	s8 =	smul.u32 $0x9E00, s1;
	s6 =	sand.u32 $0x1, s6;
	[smem:$0x7FF] =	sst s3  }
0xb: {  	s31 =	sshll.u32 s1, $0x6;
	s9 =	smul.u32 $0x9E000, s6;
	_ =	strace $0x80000047  }
0xc: {  	s11 =	ssub.s32 $0x2, s6;
	s30 =	smul.u32 $0x13880, s6;
	s5 =	sadd.s32 s5, s4  }
0xd: {  	s10 =	sshrl.u32 s8, $0x3;
	s12 =	sshrl.u32 s11, $0x1;
	s13 =	sadd.s32 s8, s2  }
0xe: {  	s9 =	sadd.s32 s8, s9;
	s10 =	sadd.s32 s10, s4;
	s11 =	ssub.s32 s11, s12  }
0xf: {  	s7 =	sadd.s32 s7, s30;
	s12 =	sor.u32 $0x1C06, s31;
	s13 =	sshrl.u32 s13, $0x3  }
0x10: {  	s9 =	sshrl.u32 s9, $0x3;
	s6 =	sadd.s32 $0x15600, s10;
	s10 =	simm.s32 $0x6  }
0x11: {  	s9 =	sadd.s32 s9, s4;
	s4 =	sadd.s32 $0x1600, s5;
	s5 =	sadd.s32 $0xB600, s5  }
0x12: {  	s8 =	sadd.s32 $0x29200, s9;
	s9 =	smax.u32 s11, $0x1;
	s11 =	simm.s32 $0x5000  }
.LBB2_1:
0x13: {  	[tilespmem:s3], [sflag:$0x6] =	stream.linear.gather [hbm4b:s4+s3], $0x5000, $0x38;
	[tilespmem:$0x1DE00] =	vst v63  }
0x14: {  	_ =	swait.ge [sflag:s10], $0x5000  }
0x15: {  	[sflag:s10] =	ssyncset.done $0x0  }
0x16: {  	[sflag:s10] =	ssyncadd.s32 $0xFFFFB000  }
0x17: {  	[tilespmem:s11], [sflag:$0x6] =	stream.linear.gather [hbm4b:s5+s3], $0x5000, $0x38;
	[tilespmem:$0x1DE00] =	vst v63  }
0x18: {  	_ =	swait.ge [sflag:s10], $0x5000  }
0x19: {  	[sflag:s10] =	ssyncset.done $0x0  }
0x1a: {  	[sflag:s10] =	ssyncadd.s32 $0xFFFFB000  }
0x1b: {  	[spmem:s13], [sflag:s12] =	dma.local [hbm:s6], $0x13C0  }
0x1c: {  	_ =	swait.ge [sflag:s10], $0x13C0  }
0x1d: {  	[sflag:s10] =	ssyncset.done $0x0  }
0x1e: {  	[sflag:s10] =	ssyncadd.s32 $0xFFFFEC40  }
0x1f: {  	s26 =	simm.s32 $0x0;
	[bflag:$0x0] =	sbarrier.arrive $0xFFFF  }
0x20: {  	[tilespmem:s15], [sflag:$0x1] =	stream.indirect.gather [hbm4b:s7+s14], $0x40, s26, s14, $0xb8;
	[tilespmem:$0x1DE00] =	vst v63  }
0x21: {  	s28 =	simm.s32 $0x80  }
0x22: {  	[tilespmem:s16], [sflag:$0x2] =	stream.indirect.gather [hbm4b:s7+s14], $0x40, s28, s14, $0xb8;
	[tilespmem:$0x1DE00] =	vst v63  }
0x23: {  	s29 =	simm.s32 $0x100  }
0x24: {  	[tilespmem:s17], [sflag:$0x3] =	stream.indirect.gather [hbm4b:s7+s14], $0x40, s29, s14, $0xb8;
	[tilespmem:$0x1DE00] =	vst v63  }
0x25: {  	s31 =	simm.s32 $0x180  }
0x26: {  	[tilespmem:s18], [sflag:$0x4] =	stream.indirect.gather [hbm4b:s7+s14], $0x40, s31, s14, $0xb8;
	[tilespmem:$0x1DE00] =	vst v63  }
0x27: {  	s28 =	simm.s32 $0x200  }
0x28: {  	[tilespmem:s19], [sflag:$0x5] =	stream.indirect.gather [hbm4b:s7+s14], $0x40, s28, s14, $0xb8;
	[tilespmem:$0x1DE00] =	vst v63  }
0x29: {  	_ =	swait.ge [sflag:s20], $0x2000  }
0x2a: {  	[sflag:s20] =	ssyncset.done $0x0  }
0x2b: {  	s29 =	simm.s32 $0x5000;
	[sflag:s20] =	ssyncadd.s32 $0xFFFFE000  }
0x2c: {  	[spmem:s2] =	stream.indirect.scatter.add.f32 [tilespmem:s15], [sflag:$0x6], $0x40, s29, s14, $0xb8;
	[tilespmem:$0x1DE00] =	vst v63  }
0x2d: {  	_ =	swait.ge [sflag:s10], $0x2000  }
0x2e: {  	[sflag:s10] =	ssyncset.done $0x0  }
0x2f: {  	[sflag:s10] =	ssyncadd.s32 $0xFFFFE000  }
0x30: {  	_ =	swait.ge [sflag:s21], $0x2000  }
0x31: {  	[sflag:s21] =	ssyncset.done $0x0  }
0x32: {  	s31 =	simm.s32 $0x5080;
	[sflag:s21] =	ssyncadd.s32 $0xFFFFE000  }
0x33: {  	[spmem:s2] =	stream.indirect.scatter.add.f32 [tilespmem:s16], [sflag:$0x6], $0x40, s31, s14, $0xb8;
	[tilespmem:$0x1DE00] =	vst v63  }
0x34: {  	_ =	swait.ge [sflag:s10], $0x2000  }
0x35: {  	[sflag:s10] =	ssyncset.done $0x0  }
0x36: {  	[sflag:s10] =	ssyncadd.s32 $0xFFFFE000  }
0x37: {  	_ =	swait.ge [sflag:s22], $0x2000  }
0x38: {  	[sflag:s22] =	ssyncset.done $0x0  }
0x39: {  	s28 =	simm.s32 $0x5100;
	[sflag:s22] =	ssyncadd.s32 $0xFFFFE000  }
0x3a: {  	[spmem:s2] =	stream.indirect.scatter.add.f32 [tilespmem:s17], [sflag:$0x6], $0x40, s28, s14, $0xb8;
	[tilespmem:$0x1DE00] =	vst v63  }
0x3b: {  	_ =	swait.ge [sflag:s10], $0x2000  }
0x3c: {  	[sflag:s10] =	ssyncset.done $0x0  }
0x3d: {  	[sflag:s10] =	ssyncadd.s32 $0xFFFFE000  }
0x3e: {  	_ =	swait.ge [sflag:s23], $0x2000  }
0x3f: {  	[sflag:s23] =	ssyncset.done $0x0  }
0x40: {  	s29 =	simm.s32 $0x5180;
	[sflag:s23] =	ssyncadd.s32 $0xFFFFE000  }
0x41: {  	[spmem:s2] =	stream.indirect.scatter.add.f32 [tilespmem:s18], [sflag:$0x6], $0x40, s29, s14, $0xb8;
	[tilespmem:$0x1DE00] =	vst v63  }
0x42: {  	_ =	swait.ge [sflag:s10], $0x2000  }
0x43: {  	[sflag:s10] =	ssyncset.done $0x0  }
0x44: {  	[sflag:s10] =	ssyncadd.s32 $0xFFFFE000  }
0x45: {  	_ =	swait.ge [sflag:s24], $0x2000  }
0x46: {  	[sflag:s24] =	ssyncset.done $0x0  }
0x47: {  	s31 =	simm.s32 $0x5200;
	[sflag:s24] =	ssyncadd.s32 $0xFFFFE000  }
0x48: {  	[spmem:s2] =	stream.indirect.scatter.add.f32 [tilespmem:s19], [sflag:$0x6], $0x40, s31, s14, $0xb8;
	[tilespmem:$0x1DE00] =	vst v63  }
0x49: {  	_ =	swait.ge [sflag:s10], $0x2000  }
0x4a: {  	s30 =	simm.s32 $0x1400;
	s26 =	simm.s32 $0xA00;
	[sflag:s10] =	ssyncset.done $0x0  }
.LBB2_2:
0x4b: {  	s29 =	sshra.s32 s26, $0x2  }
0x4c: {  	[sflag:s10] =	ssyncadd.s32 $0xFFFFE000;
	s26 =	smov.u32 s30;
	s28 =	sadd.s32 $0xA00, s30  }
0x4d: {  	[tilespmem:s15], [sflag:$0x1] =	stream.indirect.gather [hbm4b:s7+s14], $0x40, s29, s14, $0xb8;
	[tilespmem:$0x1DE00] =	vst v63  }
0x4e: {  	p0 =	sne.s32 s30, $0x13600;
	s30 =	sadd.s32 $0x80, s29  }
0x4f: {  	[tilespmem:s16], [sflag:$0x2] =	stream.indirect.gather [hbm4b:s7+s14], $0x40, s30, s14, $0xb8;
	[tilespmem:$0x1DE00] =	vst v63  }
0x50: {  	s30 =	sadd.s32 $0x100, s29  }
0x51: {  	[tilespmem:s17], [sflag:$0x3] =	stream.indirect.gather [hbm4b:s7+s14], $0x40, s30, s14, $0xb8;
	[tilespmem:$0x1DE00] =	vst v63  }
0x52: {  	s30 =	sadd.s32 $0x180, s29  }
0x53: {  	[tilespmem:s18], [sflag:$0x4] =	stream.indirect.gather [hbm4b:s7+s14], $0x40, s30, s14, $0xb8;
	[tilespmem:$0x1DE00] =	vst v63  }
0x54: {  	s30 =	sadd.s32 $0x200, s29  }
0x55: {  	[tilespmem:s19], [sflag:$0x5] =	stream.indirect.gather [hbm4b:s7+s14], $0x40, s30, s14, $0xb8;
	[tilespmem:$0x1DE00] =	vst v63  }
0x56: {  	_ =	swait.ge [sflag:s20], $0x2000  }
0x57: {  	[sflag:s20] =	ssyncset.done $0x0  }
0x58: {  	s30 =	sadd.s32 $0x5000, s29;
	[sflag:s20] =	ssyncadd.s32 $0xFFFFE000  }
0x59: {  	[spmem:s2] =	stream.indirect.scatter.add.f32 [tilespmem:s15], [sflag:$0x6], $0x40, s30, s14, $0xb8;
	[tilespmem:$0x1DE00] =	vst v63  }
0x5a: {  	_ =	swait.ge [sflag:s10], $0x2000  }
0x5b: {  	[sflag:s10] =	ssyncset.done $0x0  }
0x5c: {  	[sflag:s10] =	ssyncadd.s32 $0xFFFFE000  }
0x5d: {  	_ =	swait.ge [sflag:s21], $0x2000  }
0x5e: {  	[sflag:s21] =	ssyncset.done $0x0  }
0x5f: {  	s30 =	sadd.s32 $0x5080, s29;
	[sflag:s21] =	ssyncadd.s32 $0xFFFFE000  }
0x60: {  	[spmem:s2] =	stream.indirect.scatter.add.f32 [tilespmem:s16], [sflag:$0x6], $0x40, s30, s14, $0xb8;
	[tilespmem:$0x1DE00] =	vst v63  }
0x61: {  	_ =	swait.ge [sflag:s10], $0x2000  }
0x62: {  	[sflag:s10] =	ssyncset.done $0x0  }
0x63: {  	[sflag:s10] =	ssyncadd.s32 $0xFFFFE000  }
0x64: {  	_ =	swait.ge [sflag:s22], $0x2000  }
0x65: {  	[sflag:s22] =	ssyncset.done $0x0  }
0x66: {  	s30 =	sadd.s32 $0x5100, s29;
	[sflag:s22] =	ssyncadd.s32 $0xFFFFE000  }
0x67: {  	[spmem:s2] =	stream.indirect.scatter.add.f32 [tilespmem:s17], [sflag:$0x6], $0x40, s30, s14, $0xb8;
	[tilespmem:$0x1DE00] =	vst v63  }
0x68: {  	_ =	swait.ge [sflag:s10], $0x2000  }
0x69: {  	[sflag:s10] =	ssyncset.done $0x0  }
0x6a: {  	[sflag:s10] =	ssyncadd.s32 $0xFFFFE000  }
0x6b: {  	_ =	swait.ge [sflag:s23], $0x2000  }
0x6c: {  	[sflag:s23] =	ssyncset.done $0x0  }
0x6d: {  	s30 =	sadd.s32 $0x5180, s29;
	[sflag:s23] =	ssyncadd.s32 $0xFFFFE000  }
0x6e: {  	[spmem:s2] =	stream.indirect.scatter.add.f32 [tilespmem:s18], [sflag:$0x6], $0x40, s30, s14, $0xb8;
	[tilespmem:$0x1DE00] =	vst v63  }
0x6f: {  	_ =	swait.ge [sflag:s10], $0x2000  }
0x70: {  	[sflag:s10] =	ssyncset.done $0x0  }
0x71: {  	[sflag:s10] =	ssyncadd.s32 $0xFFFFE000  }
0x72: {  	_ =	swait.ge [sflag:s24], $0x2000  }
.Ltmp0:
0x73: {  	[sflag:s24] =	ssyncset.done $0x0;
	(pc) =	sbr.rel @p0 .LBB2_2-.Ltmp0, $4  }
0x74: {  	s29 =	sadd.s32 $0x5200, s29;
	[sflag:s24] =	ssyncadd.s32 $0xFFFFE000  }
0x75: {  	[spmem:s2] =	stream.indirect.scatter.add.f32 [tilespmem:s19], [sflag:$0x6], $0x40, s29, s14, $0xb8;
	[tilespmem:$0x1DE00] =	vst v63  }
0x76: {  	_ =	swait.ge [sflag:s10], $0x2000  }
0x77: {  	s30 =	smov.u32 s28;
	[sflag:s10] =	ssyncset.done $0x0  }
0x78: {  	s26 =	sshra.s32 s26, $0x2;
	[sflag:s10] =	ssyncadd.s32 $0xFFFFE000  }
0x79: {  	[tilespmem:s15], [sflag:$0x1] =	stream.indirect.gather [hbm4b:s7+s14], $0x40, s26, s14, $0xb8;
	[tilespmem:$0x1DE00] =	vst v63  }
0x7a: {  	s28 =	sadd.s32 $0x80, s26  }
0x7b: {  	[tilespmem:s16], [sflag:$0x2] =	stream.indirect.gather [hbm4b:s7+s14], $0x40, s28, s14, $0xb8;
	[tilespmem:$0x1DE00] =	vst v63  }
0x7c: {  	s31 =	sadd.s32 $0x100, s26  }
0x7d: {  	[tilespmem:s17], [sflag:$0x3] =	stream.indirect.gather [hbm4b:s7+s14], $0x40, s31, s14, $0xb8;
	[tilespmem:$0x1DE00] =	vst v63  }
0x7e: {  	s29 =	sadd.s32 $0x180, s26  }
0x7f: {  	[tilespmem:s18], [sflag:$0x4] =	stream.indirect.gather [hbm4b:s7+s14], $0x40, s29, s14, $0xb8;
	[tilespmem:$0x1DE00] =	vst v63  }
0x80: {  	s30 =	sadd.s32 $0x200, s26  }
0x81: {  	[tilespmem:s19], [sflag:$0x5] =	stream.indirect.gather [hbm4b:s7+s14], $0x40, s30, s14, $0xb8;
	[tilespmem:$0x1DE00] =	vst v63  }
0x82: {  	_ =	swait.ge [sflag:s20], $0x2000  }
0x83: {  	[sflag:s20] =	ssyncset.done $0x0  }
0x84: {  	s31 =	sadd.s32 $0x5000, s26;
	[sflag:s20] =	ssyncadd.s32 $0xFFFFE000  }
0x85: {  	[spmem:s2] =	stream.indirect.scatter.add.f32 [tilespmem:s15], [sflag:$0x6], $0x40, s31, s14, $0xb8;
	[tilespmem:$0x1DE00] =	vst v63  }
0x86: {  	_ =	swait.ge [sflag:s10], $0x2000  }
0x87: {  	[sflag:s10] =	ssyncset.done $0x0  }
0x88: {  	[sflag:s10] =	ssyncadd.s32 $0xFFFFE000  }
0x89: {  	_ =	swait.ge [sflag:s21], $0x2000  }
0x8a: {  	[sflag:s21] =	ssyncset.done $0x0  }
0x8b: {  	s29 =	sadd.s32 $0x5080, s26;
	[sflag:s21] =	ssyncadd.s32 $0xFFFFE000  }
0x8c: {  	[spmem:s2] =	stream.indirect.scatter.add.f32 [tilespmem:s16], [sflag:$0x6], $0x40, s29, s14, $0xb8;
	[tilespmem:$0x1DE00] =	vst v63  }
0x8d: {  	_ =	swait.ge [sflag:s10], $0x2000  }
0x8e: {  	[sflag:s10] =	ssyncset.done $0x0  }
0x8f: {  	[sflag:s10] =	ssyncadd.s32 $0xFFFFE000  }
0x90: {  	_ =	swait.ge [sflag:s22], $0x2000  }
0x91: {  	[sflag:s22] =	ssyncset.done $0x0  }
0x92: {  	s30 =	sadd.s32 $0x5100, s26;
	[sflag:s22] =	ssyncadd.s32 $0xFFFFE000  }
0x93: {  	[spmem:s2] =	stream.indirect.scatter.add.f32 [tilespmem:s17], [sflag:$0x6], $0x40, s30, s14, $0xb8;
	[tilespmem:$0x1DE00] =	vst v63  }
0x94: {  	_ =	swait.ge [sflag:s10], $0x2000  }
0x95: {  	[sflag:s10] =	ssyncset.done $0x0  }
0x96: {  	[sflag:s10] =	ssyncadd.s32 $0xFFFFE000  }
0x97: {  	_ =	swait.ge [sflag:s23], $0x2000  }
0x98: {  	[sflag:s23] =	ssyncset.done $0x0  }
0x99: {  	s31 =	sadd.s32 $0x5180, s26;
	[sflag:s23] =	ssyncadd.s32 $0xFFFFE000  }
0x9a: {  	[spmem:s2] =	stream.indirect.scatter.add.f32 [tilespmem:s18], [sflag:$0x6], $0x40, s31, s14, $0xb8;
	[tilespmem:$0x1DE00] =	vst v63  }
0x9b: {  	_ =	swait.ge [sflag:s10], $0x2000  }
0x9c: {  	[sflag:s10] =	ssyncset.done $0x0  }
0x9d: {  	[sflag:s10] =	ssyncadd.s32 $0xFFFFE000  }
0x9e: {  	_ =	swait.ge [sflag:s24], $0x2000  }
0x9f: {  	[sflag:s24] =	ssyncset.done $0x0  }
0xa0: {  	s26 =	sadd.s32 $0x5200, s26;
	[sflag:s24] =	ssyncadd.s32 $0xFFFFE000  }
0xa1: {  	[spmem:s2] =	stream.indirect.scatter.add.f32 [tilespmem:s19], [sflag:$0x6], $0x40, s26, s14, $0xb8;
	[tilespmem:$0x1DE00] =	vst v63  }
0xa2: {  	_ =	swait.ge [sflag:s10], $0x2000  }
0xa3: {  	s25 =	sadd.s32 $0x1, s25;
	[sflag:s10] =	ssyncset.done $0x0  }
0xa4: {  	p0 =	sne.s32 s25, s9;
	[sflag:s10] =	ssyncadd.s32 $0xFFFFE000  }
.Ltmp1:
0xa5: {  	[bflag:$0x0] =	sbarrier.arrive $0xFFFF;
	(pc) =	sbr.rel @p0 .LBB2_1-.Ltmp1, $4  }
0xa6: {  	[hbm:s8], [sflag:s12] =	dma.local [spmem:s13], $0x13C0  }
0xa7: {  	_ =	swait.ge [sflag:s10], $0x13C0  }
0xa8: {  	[sflag:s10] =	ssyncset.done $0x0  }
0xa9: {  	[sflag:s10] =	ssyncadd.s32 $0xFFFFEC40  }
0xaa: {  	_ =	sfence.sel $0x180000  }
0xab: {  	[bflag:$0x0] =	sbarrier.arrive $0xFFFF  }
0xac: {  	p0 =	sne.s32 s1, $0x0;
	_ =	strace $0x90000047  }
0xad: {  	s0 =	sadd.s32 @!p0 $0x100000, s0;
	[bflag:$0x2] =	sbarrier.arrive $0xFFFF  }
0xae: {  	[sflag:s0] =	ssyncadd.tile.s32 @!p0 $0x1;
	_ =	shalt  }
.Lfunc_end2:
_tile_overlayer_lowered:
.L_overlay_start_2:
0xaf: {  	(tag) =	ssettag $0x2  }
0xb0: {  	s0 =	rddreg [dreg:$0x0];
	s2 =	stileid.u32  }
0xb1: {  	s1 =	rddreg [dreg:$0x1];
	p0 =	sne.s32 s2, $0x0  }
0xb2: {  	s3 =	rddreg [dreg:$0x2];
	[bflag:$0x3] =	sbarrier.arrive $0xFFFF;
	s2 =	simm.s32 @!p0 $0x1C06  }
0xb3: {  	[timem:s3], [sflag:s2] =	dma.local @!p0 [hbm:s0], s1  }
0xb4: {  	s0 =	simm.s32 @!p0 $0x6  }
0xb5: {  	_ =	swait.ge @!p0 [sflag:s0], s1  }
0xb6: {  	s1 =	ssub.s32 @!p0 $0x0, s1;
	[sflag:s0] =	ssyncset.done @!p0 $0x0  }
0xb7: {  	[sflag:s0] =	ssyncadd.s32 @!p0 s1  }
0xb8: {  	[bflag:$0x3] =	sbarrier.arrive $0xFFFF  }
0xb9: {  	_ =	shalt  }

// kernel: kernel.13.cloned.1.call-start
scs
__scs_entry_jumppad:
0x0: {  	(pc) =	sbr.rel $0x88, $3  }
0x1: {  	(tag) =	ssettag $0x0;
	lr =	simm.s32 $0x1  }
0x2: {  	[smem:$0x3F99] =	sst lr;
	_ =	strace $0xD0000000  }
0x3: {  	_ = 	snop  }
0x4: {  	_ = 	snop  }
0x5: {  	_ = 	snop  }
0x6: {  	_ = 	snop  }
0x7: {  	_ = 	snop  }
__scs_overlays_trampoline_lowered:
0x8: {  	[smem:$0x3FA8] =	sst s0  }
0x9: {  	[smem:$0x3FA9] =	sst s1  }
0xa: {  	[smem:$0x3FAA] =	sst s2  }
0xb: {  	[smem:$0x3FAB] =	sst s3  }
0xc: {  	[smem:$0x3FAC] =	sst s4  }
0xd: {  	[smem:$0x3FAD] =	sst s5  }
0xe: {  	[smem:$0x3FAE] =	sst s6  }
0xf: {  	[smem:$0x3FAF] =	sst s7  }
0x10: {  	[smem:$0x3FB0] =	sst s8  }
0x11: {  	[smem:$0x3FB1] =	sst s9;
	s0 =	simm.s32 @!p0 $0x0  }
0x12: {  	s1 =	sld [smem:$0x3F97];
	s0 =	simm.s32 @p0 $0x1  }
0x13: {  	[smem:$0x3FB2] =	sst s0;
	s0 =	simm.s32 @!p1 $0x0  }
0x14: {  	s2 =	sld [smem:$0x3F96];
	s0 =	simm.s32 @p1 $0x1  }
0x15: {  	[smem:$0x3FB3] =	sst s0;
	s0 =	simm.s32 @!p2 $0x0  }
0x16: {  	s3 =	sld [smem:$0x3FDB];
	s0 =	simm.s32 @p2 $0x1  }
0x17: {  	s4 =	simm.s32 $0x1BF5;
	[smem:$0x3FB5] =	sst s0  }
0x18: {  	s0 =	sld [smem:$0x3F98];
	_ =	swait.ge [sflag:s4], $0x0  }
0x19: {  	s7 =	sld [smem:$0x3F99]  }
0x1a: {  	s8 =	sadd.s32 $0xFFFFE003, lr  }
0x1b: {  	s9 =	sadd.s32 $0xFFFFFEF7, lr;
	s5 =	simm.s32 $0xFFFFFFFF;
	p2 =	slt.u32 s8, $0xFFFFF086  }
0x1c: {  	p1 =	slt.u32 s9, $0xF7A;
	s5 =	simm.s32 @!p2 $0x0  }
0x1d: {  	s5 =	simm.s32 @p1 $0x1;
	p0 =	seq.s32 s7, s2  }
0x1e: {  	s7 =	smul.u32 @!p0 $0xF7A, s2;
	p2 =	seq.s32 @!p0 s5, $0x0  }
0x1f: {  	s9 =	smul.u32 $0xF7A, s1;
	s8 =	simm.s32 @!p0 $0x1BF5;
	p2 =	por !p2, p0  }
0x20: {  	[sflag:s8] =	ssyncset.s32 @!p0 $0xFFFFF086;
	s6 =	sadd.s32 @!p0 s3, s7;
	s7 =	simm.s32 @!p0 $0x108  }
0x21: {  	s3 =	sadd.s32 s3, s9;
	s6 =	sadd.s32 @!p0 $0x88, s6;
	s7 =	simm.s32 @p2 $0x1082  }
0x22: {  	[simem:s7], [sflag:s8] =	dma.local @!p0 [hbm:s6], $0xF7A  }
0x23: {  	s9 =	sor.u32 $0xD0000000, s2;
	s6 =	simm.s32 $0x108;
	_ =	swait.ge @!p0 [sflag:s8], $0x0  }
0x24: {  	s3 =	sadd.s32 $0x88, s3;
	s6 =	simm.s32 @!p1 $0x1082;
	[sflag:s4] =	ssyncset.s32 $0xFFFFF086  }
0x25: {  	[simem:s6], [sflag:s4] =	dma.local [hbm:s3], $0xF7A  }
0x26: {  	[smem:$0x3F99] =	sst s1;
	(tag) =	ssettag s2;
	_ =	strace s9  }
0x27: {  	s1 =	sld [smem:$0x3FA9]  }
0x28: {  	s2 =	sld [smem:$0x3FAA]  }
0x29: {  	s4 =	sld [smem:$0x3FAC]  }
0x2a: {  	p0 =	seq.s32 s5, $0x0;
	s5 =	sld [smem:$0x3FAD]  }
0x2b: {  	s6 =	sld [smem:$0x3FAE]  }
0x2c: {  	s7 =	sld [smem:$0x3FAF]  }
0x2d: {  	s3 =	simm.s32 $0x108;
	s8 =	sld [smem:$0x3FB0]  }
0x2e: {  	s3 =	simm.s32 @!p0 $0x1082;
	s9 =	sld [smem:$0x3FB1]  }
0x2f: {  	lr =	sadd.s32 s0, s3;
	s0 =	sld [smem:$0x3FA8]  }
0x30: {  	s3 =	sld [smem:$0x3FAB]  }
0x31: {  	[smem:$0x3FB4] =	sst s10  }
0x32: {  	s10 =	sld [smem:$0x3FB2];
	_ =	sdelay $0x3  }
0x33: {  	p0 =	seq.s32 s10, $0x1;
	s10 =	sld [smem:$0x3FB4];
	_ =	sdelay $0x3  }
0x34: {  	[smem:$0x3FB4] =	sst s10  }
0x35: {  	s10 =	sld [smem:$0x3FB3];
	_ =	sdelay $0x3  }
0x36: {  	p1 =	seq.s32 s10, $0x1;
	s10 =	sld [smem:$0x3FB4];
	_ =	sdelay $0x3  }
0x37: {  	[smem:$0x3FB4] =	sst s10  }
0x38: {  	s10 =	sld [smem:$0x3FB5]  }
0x39: {  	_ = 	snop;
	(pc) =	sbr.ind lr, $3  }
0x3a: {  	_ = 	snop  }
0x3b: {  	_ = 	snop  }
0x3c: {  	p2 =	seq.s32 s10, $0x1;
	s10 =	sld [smem:$0x3FB4]  }
0x3d: {  	_ =	shalt  }
0x3e: {  	_ =	shalt  }
0x3f: {  	_ =	shalt  }
0x40: {  	_ =	shalt  }
0x41: {  	_ =	shalt  }
0x42: {  	_ =	shalt  }
0x43: {  	_ =	shalt  }
0x44: {  	_ =	shalt  }
0x45: {  	_ =	shalt  }
0x46: {  	_ =	shalt  }
0x47: {  	_ =	shalt  }
0x48: {  	_ =	shalt  }
0x49: {  	_ =	shalt  }
0x4a: {  	_ =	shalt  }
0x4b: {  	_ =	shalt  }
0x4c: {  	_ =	shalt  }
0x4d: {  	_ =	shalt  }
0x4e: {  	_ =	shalt  }
0x4f: {  	_ =	shalt  }
0x50: {  	_ =	shalt  }
0x51: {  	_ =	shalt  }
0x52: {  	_ =	shalt  }
0x53: {  	_ =	shalt  }
0x54: {  	_ =	shalt  }
0x55: {  	_ =	shalt  }
0x56: {  	_ =	shalt  }
0x57: {  	_ =	shalt  }
0x58: {  	_ =	shalt  }
0x59: {  	_ =	shalt  }
0x5a: {  	_ =	shalt  }
0x5b: {  	_ =	shalt  }
0x5c: {  	_ =	shalt  }
0x5d: {  	_ =	shalt  }
0x5e: {  	_ =	shalt  }
0x5f: {  	_ =	shalt  }
0x60: {  	_ =	shalt  }
0x61: {  	_ =	shalt  }
0x62: {  	_ =	shalt  }
0x63: {  	_ =	shalt  }
0x64: {  	_ =	shalt  }
0x65: {  	_ =	shalt  }
0x66: {  	_ =	shalt  }
0x67: {  	_ =	shalt  }
0x68: {  	_ =	shalt  }
0x69: {  	_ =	shalt  }
0x6a: {  	_ =	shalt  }
0x6b: {  	_ =	shalt  }
0x6c: {  	_ =	shalt  }
0x6d: {  	_ =	shalt  }
0x6e: {  	_ =	shalt  }
0x6f: {  	_ =	shalt  }
0x70: {  	_ =	shalt  }
0x71: {  	_ =	shalt  }
0x72: {  	_ =	shalt  }
0x73: {  	_ =	shalt  }
0x74: {  	_ =	shalt  }
0x75: {  	_ =	shalt  }
0x76: {  	_ =	shalt  }
0x77: {  	_ =	shalt  }
0x78: {  	_ =	shalt  }
0x79: {  	_ =	shalt  }
0x7a: {  	_ =	shalt  }
0x7b: {  	_ =	shalt  }
0x7c: {  	_ =	shalt  }
0x7d: {  	_ =	shalt  }
0x7e: {  	_ =	shalt  }
0x7f: {  	_ =	shalt  }
0x80: {  	_ =	shalt  }
0x81: {  	_ =	shalt  }
0x82: {  	_ =	shalt  }
0x83: {  	_ =	shalt  }
0x84: {  	_ =	shalt  }
0x85: {  	_ =	shalt  }
0x86: {  	_ =	shalt  }
0x87: {  	_ =	shalt  }
.Lfunc_end0:
.L_simem_size_0:
called_computation.2_lowered:
.L_overlay_start_0:
0x88: {  	s2 =	sld [smem:$0x3FD9]  }
0x89: {  	s3 =	sld [smem:$0x3FFE];
	_ =	sdelay $0x1  }
0x8a: {  	s1 =	srdreg.scid  }
0x8b: {  	s0 =	sand.u32 $0x1, s1  }
0x8c: {  	s17 =	sshll.u32 s0, $0xA;
	s2 =	sadd.s32 s3, s2  }
0x8d: {  	s2 =	sadd.s32 s2, s17  }
0x8e: {  	[smem:$0x3FC0] =	sst s2  }
0x8f: {  	_ = 	snop  }
0x90: {  	s2 =	sld [smem:$0x3FD0];
	(tm) =	ssettm $0x1  }
0x91: {  	s18 =	sld [smem:$0x3FFB];
	_ =	sdelay $0x3  }
0x92: {  	_ =	strace s18  }
0x93: {  	s3 =	sld [smem:$0x3FFC];
	_ =	sdelay $0x3  }
0x94: {  	_ =	strace s3  }
0x95: {  	s3 =	sld [smem:$0x3FFD];
	_ =	sdelay $0x3  }
0x96: {  	_ =	strace s3  }
0x97: {  	_ =	strace $0x8FFFFFFF  }
0x98: {  	s19 =	sld [smem:$0x3FDB];
	_ =	sdelay $0x1  }
0x99: {  	s4 =	simm.s32 $_scs_section_size  }
0x9a: {  	s5 =	simm.s32 $_size__tile_overlayer_lowered;
	s6 =	simm.s32 $_tile_overlayer_lowered  }
0x9b: {  	s22 =	simm.s32 $0x1BFF;
	s21 =	sshll.u32 s6, $0x1;
	s3 =	sadd.s32 s4, s19  }
0x9c: {  	s7 =	simm.s32 $0x0;
	s20 =	sshll.u32 s5, $0x1;
	s5 =	sadd.s32 s21, s3  }
0x9d: {  	[timem:s7], [sflag:s22] =	dma.local [hbm:s5], s20  }
0x9e: {  	_ =	swait.ge [sflag:s22], s20  }
0x9f: {  	s4 =	ssub.s32 $0x0, s20;
	[sflag:s22] =	ssyncset.done $0x0  }
0xa0: {  	[sflag:s22] =	ssyncadd.s32 s4;
	_ =	sdelay $0x1  }
0xa1: {  	s23 =	simm.s32 $0x1B8B  }
0xa2: {  	_ =	swait.ge [sflag:s23], $0x1  }
0xa3: {  	[sflag:s23] =	ssyncset.done $0x0  }
0xa4: {  	s25 =	simm.s32 $0x1B8E;
	s24 =	sld [smem:$0x3FFE];
	[sflag:s23] =	ssyncadd.s32 $0xFFFFFFFF  }
0xa5: {  	s26 =	simm.s32 $execute0_lowered;
	[smem:$0x3FD2] =	sst s25  }
0xa6: {  	s5 =	sshll.u32 s26, $0x1;
	_ =	strace $0x8000004C;
	[dreg:$0x1] =	wrdreg $0xFFFFFFFF  }
0xa7: {  	s28 =	simm.s32 $_size_execute0_lowered;
	s3 =	sadd.s32 s3, s5;
	[dreg:$0x0] =	wrdreg $0x0  }
0xa8: {  	s5 =	sshll.u32 s28, $0x1;
	[dreg:$0x2] =	wrdreg s3  }
0xa9: {  	[dreg:$0x3] =	wrdreg s5  }
0xaa: {  	[dreg:$0x4] =	wrdreg $0xC0  }
0xab: {  	_ =	task [dreg:s7], $0x5FFFF  }
0xac: {  	[dreg:$0x1] =	wrdreg $0xFFFFFFFF  }
0xad: {  	[dreg:$0x0] =	wrdreg $0x60  }
0xae: {  	[dreg:$0x2] =	wrdreg s2  }
0xaf: {  	[dreg:$0x3] =	wrdreg s24  }
0xb0: {  	[dreg:$0x4] =	wrdreg $0x140000  }
0xb1: {  	[dreg:$0x5] =	wrdreg $0x9  }
0xb2: {  	_ =	task.clear_ibuf [dreg:s7], $0x6FFFF;
	_ =	strace $0x9000004C  }
0xb3: {  	s29 =	simm.s32 $0x9;
	_ =	strace $0x8000004E  }
0xb4: {  	_ =	swait.ge [sflag:s29], $0x1  }
0xb5: {  	[sflag:s29] =	ssyncadd.s32 $0xFFFFFFFF  }
0xb6: {  	_ =	strace $0x9000004E  }
0xb7: {  	_ =	sfence  }
0xb8: {  	s30 =	sld [smem:$0x0];
	_ =	sdelay $0x2  }
0xb9: {  	s31 =	sshll.u32 s1, $0xD;
	s1 =	sshrl.u32 s1, $0x2  }
0xba: {  	s3 =	sand.u32 $0x4000, s31;
	s1 =	sadd.s32 s1, s30  }
0xbb: {  	s0 =	sor.u32 s3, s0;
	s1 =	sshll.u32 s1, $0x11  }
0xbc: {  	s0 =	sor.u32 s1, s0  }
0xbd: {  	s0 =	sadd.s32 $0x8F2B, s0  }
0xbe: {  	[sflag:s0] =	ssyncadd.remote.s32 $0x1  }
0xbf: {  	_ =	sfence.sel $0xFFFF  }
0xc0: {  	[dreg:$0x0] =	wrdreg $0xFFFFFFFF;
	(pc) =	sbr.abs _section_cstart, $3  }
0xc1: {  	[dreg:$0x1] =	wrdreg $0xFFFFFFFF  }
0xc2: {  	_ =	task.clear_ibuf [dreg:s7], $0x2FFFF;
	_ =	strace $0x9FFFFFFF  }
0xc3: {  	(tm) =	ssettm $0x7FFFFFFF  }
tec
execute0_lowered:
.L_overlay_start_1:
0x0: {  	(tag) =	ssettag $0x1  }
0x1: {  	s7 =	rddreg [dreg:$0x0]  }
0x2: {  	s4 =	rddreg [dreg:$0x1]  }
0x3: {  	s2 =	rddreg [dreg:$0x2]  }
0x4: {  	s0 =	rddreg [dreg:$0x3];
	s1 =	stileid.u32  }
0x5: {  	s6 =	srdreg.scid;
	s3 =	simm.s32 $0x0;
	s14 =	simm.s32 $0x80  }
0x6: {  	s15 =	simm.s32 $0xA000;
	s16 =	simm.s32 $0xC000;
	s17 =	simm.s32 $0xE000  }
0x7: {  	s18 =	simm.s32 $0x10000;
	s19 =	simm.s32 $0x12000;
	s20 =	simm.s32 $0x1  }
0x8: {  	s21 =	simm.s32 $0x2;
	s22 =	simm.s32 $0x3;
	s23 =	simm.s32 $0x4  }
0x9: {  	s24 =	simm.s32 $0x5;
	s25 =	simm.s32 $0x0;
	s5 =	smul.u32 $0xA00, s1  }
0xa: {  	s8 =	smul.u32 $0x9E00, s1;
	s6 =	sand.u32 $0x1, s6;
	[smem:$0x7FF] =	sst s3  }
0xb: {  	s31 =	sshll.u32 s1, $0x6;
	s9 =	smul.u32 $0x9E000, s6;
	_ =	strace $0x8000004D  }
0xc: {  	s11 =	ssub.s32 $0x2, s6;
	s30 =	smul.u32 $0x13880, s6;
	s5 =	sadd.s32 s5, s4  }
0xd: {  	s10 =	sshrl.u32 s8, $0x3;
	s12 =	sshrl.u32 s11, $0x1;
	s13 =	sadd.s32 s8, s2  }
0xe: {  	s9 =	sadd.s32 s8, s9;
	s10 =	sadd.s32 s10, s4;
	s11 =	ssub.s32 s11, s12  }
0xf: {  	s7 =	sadd.s32 s7, s30;
	s12 =	sor.u32 $0x1C06, s31;
	s13 =	sshrl.u32 s13, $0x3  }
0x10: {  	s9 =	sshrl.u32 s9, $0x3;
	s6 =	sadd.s32 $0x15600, s10;
	s10 =	simm.s32 $0x6  }
0x11: {  	s9 =	sadd.s32 s9, s4;
	s4 =	sadd.s32 $0x1600, s5;
	s5 =	sadd.s32 $0xB600, s5  }
0x12: {  	s8 =	sadd.s32 $0x29200, s9;
	s9 =	smax.u32 s11, $0x1;
	s11 =	simm.s32 $0x5000  }
.LBB2_1:
0x13: {  	[tilespmem:s3], [sflag:$0x6] =	stream.linear.gather [hbm4b:s4+s3], $0x5000, $0x38;
	[tilespmem:$0x1DE00] =	vst v63  }
0x14: {  	_ =	swait.ge [sflag:s10], $0x5000  }
0x15: {  	[sflag:s10] =	ssyncset.done $0x0  }
0x16: {  	[sflag:s10] =	ssyncadd.s32 $0xFFFFB000  }
0x17: {  	[tilespmem:s11], [sflag:$0x6] =	stream.linear.gather [hbm4b:s5+s3], $0x5000, $0x38;
	[tilespmem:$0x1DE00] =	vst v63  }
0x18: {  	_ =	swait.ge [sflag:s10], $0x5000  }
0x19: {  	[sflag:s10] =	ssyncset.done $0x0  }
0x1a: {  	[sflag:s10] =	ssyncadd.s32 $0xFFFFB000  }
0x1b: {  	[spmem:s13], [sflag:s12] =	dma.local [hbm:s6], $0x13C0  }
0x1c: {  	_ =	swait.ge [sflag:s10], $0x13C0  }
0x1d: {  	[sflag:s10] =	ssyncset.done $0x0  }
0x1e: {  	[sflag:s10] =	ssyncadd.s32 $0xFFFFEC40  }
0x1f: {  	s26 =	simm.s32 $0x0;
	[bflag:$0x0] =	sbarrier.arrive $0xFFFF  }
0x20: {  	[tilespmem:s15], [sflag:$0x1] =	stream.indirect.gather [hbm4b:s7+s14], $0x40, s26, s14, $0xb8;
	[tilespmem:$0x1DE00] =	vst v63  }
0x21: {  	s28 =	simm.s32 $0x80  }
0x22: {  	[tilespmem:s16], [sflag:$0x2] =	stream.indirect.gather [hbm4b:s7+s14], $0x40, s28, s14, $0xb8;
	[tilespmem:$0x1DE00] =	vst v63  }
0x23: {  	s29 =	simm.s32 $0x100  }
0x24: {  	[tilespmem:s17], [sflag:$0x3] =	stream.indirect.gather [hbm4b:s7+s14], $0x40, s29, s14, $0xb8;
	[tilespmem:$0x1DE00] =	vst v63  }
0x25: {  	s31 =	simm.s32 $0x180  }
0x26: {  	[tilespmem:s18], [sflag:$0x4] =	stream.indirect.gather [hbm4b:s7+s14], $0x40, s31, s14, $0xb8;
	[tilespmem:$0x1DE00] =	vst v63  }
0x27: {  	s28 =	simm.s32 $0x200  }
0x28: {  	[tilespmem:s19], [sflag:$0x5] =	stream.indirect.gather [hbm4b:s7+s14], $0x40, s28, s14, $0xb8;
	[tilespmem:$0x1DE00] =	vst v63  }
0x29: {  	_ =	swait.ge [sflag:s20], $0x2000  }
0x2a: {  	[sflag:s20] =	ssyncset.done $0x0  }
0x2b: {  	s29 =	simm.s32 $0x5000;
	[sflag:s20] =	ssyncadd.s32 $0xFFFFE000  }
0x2c: {  	[spmem:s2] =	stream.indirect.scatter.add.f32 [tilespmem:s15], [sflag:$0x6], $0x40, s29, s14, $0xb8;
	[tilespmem:$0x1DE00] =	vst v63  }
0x2d: {  	_ =	swait.ge [sflag:s10], $0x2000  }
0x2e: {  	[sflag:s10] =	ssyncset.done $0x0  }
0x2f: {  	[sflag:s10] =	ssyncadd.s32 $0xFFFFE000  }
0x30: {  	_ =	swait.ge [sflag:s21], $0x2000  }
0x31: {  	[sflag:s21] =	ssyncset.done $0x0  }
0x32: {  	s31 =	simm.s32 $0x5080;
	[sflag:s21] =	ssyncadd.s32 $0xFFFFE000  }
0x33: {  	[spmem:s2] =	stream.indirect.scatter.add.f32 [tilespmem:s16], [sflag:$0x6], $0x40, s31, s14, $0xb8;
	[tilespmem:$0x1DE00] =	vst v63  }
0x34: {  	_ =	swait.ge [sflag:s10], $0x2000  }
0x35: {  	[sflag:s10] =	ssyncset.done $0x0  }
0x36: {  	[sflag:s10] =	ssyncadd.s32 $0xFFFFE000  }
0x37: {  	_ =	swait.ge [sflag:s22], $0x2000  }
0x38: {  	[sflag:s22] =	ssyncset.done $0x0  }
0x39: {  	s28 =	simm.s32 $0x5100;
	[sflag:s22] =	ssyncadd.s32 $0xFFFFE000  }
0x3a: {  	[spmem:s2] =	stream.indirect.scatter.add.f32 [tilespmem:s17], [sflag:$0x6], $0x40, s28, s14, $0xb8;
	[tilespmem:$0x1DE00] =	vst v63  }
0x3b: {  	_ =	swait.ge [sflag:s10], $0x2000  }
0x3c: {  	[sflag:s10] =	ssyncset.done $0x0  }
0x3d: {  	[sflag:s10] =	ssyncadd.s32 $0xFFFFE000  }
0x3e: {  	_ =	swait.ge [sflag:s23], $0x2000  }
0x3f: {  	[sflag:s23] =	ssyncset.done $0x0  }
0x40: {  	s29 =	simm.s32 $0x5180;
	[sflag:s23] =	ssyncadd.s32 $0xFFFFE000  }
0x41: {  	[spmem:s2] =	stream.indirect.scatter.add.f32 [tilespmem:s18], [sflag:$0x6], $0x40, s29, s14, $0xb8;
	[tilespmem:$0x1DE00] =	vst v63  }
0x42: {  	_ =	swait.ge [sflag:s10], $0x2000  }
0x43: {  	[sflag:s10] =	ssyncset.done $0x0  }
0x44: {  	[sflag:s10] =	ssyncadd.s32 $0xFFFFE000  }
0x45: {  	_ =	swait.ge [sflag:s24], $0x2000  }
0x46: {  	[sflag:s24] =	ssyncset.done $0x0  }
0x47: {  	s31 =	simm.s32 $0x5200;
	[sflag:s24] =	ssyncadd.s32 $0xFFFFE000  }
0x48: {  	[spmem:s2] =	stream.indirect.scatter.add.f32 [tilespmem:s19], [sflag:$0x6], $0x40, s31, s14, $0xb8;
	[tilespmem:$0x1DE00] =	vst v63  }
0x49: {  	_ =	swait.ge [sflag:s10], $0x2000  }
0x4a: {  	s30 =	simm.s32 $0x1400;
	s26 =	simm.s32 $0xA00;
	[sflag:s10] =	ssyncset.done $0x0  }
.LBB2_2:
0x4b: {  	s29 =	sshra.s32 s26, $0x2  }
0x4c: {  	[sflag:s10] =	ssyncadd.s32 $0xFFFFE000;
	s26 =	smov.u32 s30;
	s28 =	sadd.s32 $0xA00, s30  }
0x4d: {  	[tilespmem:s15], [sflag:$0x1] =	stream.indirect.gather [hbm4b:s7+s14], $0x40, s29, s14, $0xb8;
	[tilespmem:$0x1DE00] =	vst v63  }
0x4e: {  	p0 =	sne.s32 s30, $0x13600;
	s30 =	sadd.s32 $0x80, s29  }
0x4f: {  	[tilespmem:s16], [sflag:$0x2] =	stream.indirect.gather [hbm4b:s7+s14], $0x40, s30, s14, $0xb8;
	[tilespmem:$0x1DE00] =	vst v63  }
0x50: {  	s30 =	sadd.s32 $0x100, s29  }
0x51: {  	[tilespmem:s17], [sflag:$0x3] =	stream.indirect.gather [hbm4b:s7+s14], $0x40, s30, s14, $0xb8;
	[tilespmem:$0x1DE00] =	vst v63  }
0x52: {  	s30 =	sadd.s32 $0x180, s29  }
0x53: {  	[tilespmem:s18], [sflag:$0x4] =	stream.indirect.gather [hbm4b:s7+s14], $0x40, s30, s14, $0xb8;
	[tilespmem:$0x1DE00] =	vst v63  }
0x54: {  	s30 =	sadd.s32 $0x200, s29  }
0x55: {  	[tilespmem:s19], [sflag:$0x5] =	stream.indirect.gather [hbm4b:s7+s14], $0x40, s30, s14, $0xb8;
	[tilespmem:$0x1DE00] =	vst v63  }
0x56: {  	_ =	swait.ge [sflag:s20], $0x2000  }
0x57: {  	[sflag:s20] =	ssyncset.done $0x0  }
0x58: {  	s30 =	sadd.s32 $0x5000, s29;
	[sflag:s20] =	ssyncadd.s32 $0xFFFFE000  }
0x59: {  	[spmem:s2] =	stream.indirect.scatter.add.f32 [tilespmem:s15], [sflag:$0x6], $0x40, s30, s14, $0xb8;
	[tilespmem:$0x1DE00] =	vst v63  }
0x5a: {  	_ =	swait.ge [sflag:s10], $0x2000  }
0x5b: {  	[sflag:s10] =	ssyncset.done $0x0  }
0x5c: {  	[sflag:s10] =	ssyncadd.s32 $0xFFFFE000  }
0x5d: {  	_ =	swait.ge [sflag:s21], $0x2000  }
0x5e: {  	[sflag:s21] =	ssyncset.done $0x0  }
0x5f: {  	s30 =	sadd.s32 $0x5080, s29;
	[sflag:s21] =	ssyncadd.s32 $0xFFFFE000  }
0x60: {  	[spmem:s2] =	stream.indirect.scatter.add.f32 [tilespmem:s16], [sflag:$0x6], $0x40, s30, s14, $0xb8;
	[tilespmem:$0x1DE00] =	vst v63  }
0x61: {  	_ =	swait.ge [sflag:s10], $0x2000  }
0x62: {  	[sflag:s10] =	ssyncset.done $0x0  }
0x63: {  	[sflag:s10] =	ssyncadd.s32 $0xFFFFE000  }
0x64: {  	_ =	swait.ge [sflag:s22], $0x2000  }
0x65: {  	[sflag:s22] =	ssyncset.done $0x0  }
0x66: {  	s30 =	sadd.s32 $0x5100, s29;
	[sflag:s22] =	ssyncadd.s32 $0xFFFFE000  }
0x67: {  	[spmem:s2] =	stream.indirect.scatter.add.f32 [tilespmem:s17], [sflag:$0x6], $0x40, s30, s14, $0xb8;
	[tilespmem:$0x1DE00] =	vst v63  }
0x68: {  	_ =	swait.ge [sflag:s10], $0x2000  }
0x69: {  	[sflag:s10] =	ssyncset.done $0x0  }
0x6a: {  	[sflag:s10] =	ssyncadd.s32 $0xFFFFE000  }
0x6b: {  	_ =	swait.ge [sflag:s23], $0x2000  }
0x6c: {  	[sflag:s23] =	ssyncset.done $0x0  }
0x6d: {  	s30 =	sadd.s32 $0x5180, s29;
	[sflag:s23] =	ssyncadd.s32 $0xFFFFE000  }
0x6e: {  	[spmem:s2] =	stream.indirect.scatter.add.f32 [tilespmem:s18], [sflag:$0x6], $0x40, s30, s14, $0xb8;
	[tilespmem:$0x1DE00] =	vst v63  }
0x6f: {  	_ =	swait.ge [sflag:s10], $0x2000  }
0x70: {  	[sflag:s10] =	ssyncset.done $0x0  }
0x71: {  	[sflag:s10] =	ssyncadd.s32 $0xFFFFE000  }
0x72: {  	_ =	swait.ge [sflag:s24], $0x2000  }
.Ltmp0:
0x73: {  	[sflag:s24] =	ssyncset.done $0x0;
	(pc) =	sbr.rel @p0 .LBB2_2-.Ltmp0, $4  }
0x74: {  	s29 =	sadd.s32 $0x5200, s29;
	[sflag:s24] =	ssyncadd.s32 $0xFFFFE000  }
0x75: {  	[spmem:s2] =	stream.indirect.scatter.add.f32 [tilespmem:s19], [sflag:$0x6], $0x40, s29, s14, $0xb8;
	[tilespmem:$0x1DE00] =	vst v63  }
0x76: {  	_ =	swait.ge [sflag:s10], $0x2000  }
0x77: {  	s30 =	smov.u32 s28;
	[sflag:s10] =	ssyncset.done $0x0  }
0x78: {  	s26 =	sshra.s32 s26, $0x2;
	[sflag:s10] =	ssyncadd.s32 $0xFFFFE000  }
0x79: {  	[tilespmem:s15], [sflag:$0x1] =	stream.indirect.gather [hbm4b:s7+s14], $0x40, s26, s14, $0xb8;
	[tilespmem:$0x1DE00] =	vst v63  }
0x7a: {  	s28 =	sadd.s32 $0x80, s26  }
0x7b: {  	[tilespmem:s16], [sflag:$0x2] =	stream.indirect.gather [hbm4b:s7+s14], $0x40, s28, s14, $0xb8;
	[tilespmem:$0x1DE00] =	vst v63  }
0x7c: {  	s31 =	sadd.s32 $0x100, s26  }
0x7d: {  	[tilespmem:s17], [sflag:$0x3] =	stream.indirect.gather [hbm4b:s7+s14], $0x40, s31, s14, $0xb8;
	[tilespmem:$0x1DE00] =	vst v63  }
0x7e: {  	s29 =	sadd.s32 $0x180, s26  }
0x7f: {  	[tilespmem:s18], [sflag:$0x4] =	stream.indirect.gather [hbm4b:s7+s14], $0x40, s29, s14, $0xb8;
	[tilespmem:$0x1DE00] =	vst v63  }
0x80: {  	s30 =	sadd.s32 $0x200, s26  }
0x81: {  	[tilespmem:s19], [sflag:$0x5] =	stream.indirect.gather [hbm4b:s7+s14], $0x40, s30, s14, $0xb8;
	[tilespmem:$0x1DE00] =	vst v63  }
0x82: {  	_ =	swait.ge [sflag:s20], $0x2000  }
0x83: {  	[sflag:s20] =	ssyncset.done $0x0  }
0x84: {  	s31 =	sadd.s32 $0x5000, s26;
	[sflag:s20] =	ssyncadd.s32 $0xFFFFE000  }
0x85: {  	[spmem:s2] =	stream.indirect.scatter.add.f32 [tilespmem:s15], [sflag:$0x6], $0x40, s31, s14, $0xb8;
	[tilespmem:$0x1DE00] =	vst v63  }
0x86: {  	_ =	swait.ge [sflag:s10], $0x2000  }
0x87: {  	[sflag:s10] =	ssyncset.done $0x0  }
0x88: {  	[sflag:s10] =	ssyncadd.s32 $0xFFFFE000  }
0x89: {  	_ =	swait.ge [sflag:s21], $0x2000  }
0x8a: {  	[sflag:s21] =	ssyncset.done $0x0  }
0x8b: {  	s29 =	sadd.s32 $0x5080, s26;
	[sflag:s21] =	ssyncadd.s32 $0xFFFFE000  }
0x8c: {  	[spmem:s2] =	stream.indirect.scatter.add.f32 [tilespmem:s16], [sflag:$0x6], $0x40, s29, s14, $0xb8;
	[tilespmem:$0x1DE00] =	vst v63  }
0x8d: {  	_ =	swait.ge [sflag:s10], $0x2000  }
0x8e: {  	[sflag:s10] =	ssyncset.done $0x0  }
0x8f: {  	[sflag:s10] =	ssyncadd.s32 $0xFFFFE000  }
0x90: {  	_ =	swait.ge [sflag:s22], $0x2000  }
0x91: {  	[sflag:s22] =	ssyncset.done $0x0  }
0x92: {  	s30 =	sadd.s32 $0x5100, s26;
	[sflag:s22] =	ssyncadd.s32 $0xFFFFE000  }
0x93: {  	[spmem:s2] =	stream.indirect.scatter.add.f32 [tilespmem:s17], [sflag:$0x6], $0x40, s30, s14, $0xb8;
	[tilespmem:$0x1DE00] =	vst v63  }
0x94: {  	_ =	swait.ge [sflag:s10], $0x2000  }
0x95: {  	[sflag:s10] =	ssyncset.done $0x0  }
0x96: {  	[sflag:s10] =	ssyncadd.s32 $0xFFFFE000  }
0x97: {  	_ =	swait.ge [sflag:s23], $0x2000  }
0x98: {  	[sflag:s23] =	ssyncset.done $0x0  }
0x99: {  	s31 =	sadd.s32 $0x5180, s26;
	[sflag:s23] =	ssyncadd.s32 $0xFFFFE000  }
0x9a: {  	[spmem:s2] =	stream.indirect.scatter.add.f32 [tilespmem:s18], [sflag:$0x6], $0x40, s31, s14, $0xb8;
	[tilespmem:$0x1DE00] =	vst v63  }
0x9b: {  	_ =	swait.ge [sflag:s10], $0x2000  }
0x9c: {  	[sflag:s10] =	ssyncset.done $0x0  }
0x9d: {  	[sflag:s10] =	ssyncadd.s32 $0xFFFFE000  }
0x9e: {  	_ =	swait.ge [sflag:s24], $0x2000  }
0x9f: {  	[sflag:s24] =	ssyncset.done $0x0  }
0xa0: {  	s26 =	sadd.s32 $0x5200, s26;
	[sflag:s24] =	ssyncadd.s32 $0xFFFFE000  }
0xa1: {  	[spmem:s2] =	stream.indirect.scatter.add.f32 [tilespmem:s19], [sflag:$0x6], $0x40, s26, s14, $0xb8;
	[tilespmem:$0x1DE00] =	vst v63  }
0xa2: {  	_ =	swait.ge [sflag:s10], $0x2000  }
0xa3: {  	s25 =	sadd.s32 $0x1, s25;
	[sflag:s10] =	ssyncset.done $0x0  }
0xa4: {  	p0 =	sne.s32 s25, s9;
	[sflag:s10] =	ssyncadd.s32 $0xFFFFE000  }
.Ltmp1:
0xa5: {  	[bflag:$0x0] =	sbarrier.arrive $0xFFFF;
	(pc) =	sbr.rel @p0 .LBB2_1-.Ltmp1, $4  }
0xa6: {  	[hbm:s8], [sflag:s12] =	dma.local [spmem:s13], $0x13C0  }
0xa7: {  	_ =	swait.ge [sflag:s10], $0x13C0  }
0xa8: {  	[sflag:s10] =	ssyncset.done $0x0  }
0xa9: {  	[sflag:s10] =	ssyncadd.s32 $0xFFFFEC40  }
0xaa: {  	_ =	sfence.sel $0x180000  }
0xab: {  	[bflag:$0x0] =	sbarrier.arrive $0xFFFF  }
0xac: {  	p0 =	sne.s32 s1, $0x0;
	_ =	strace $0x9000004D  }
0xad: {  	s0 =	sadd.s32 @!p0 $0x100000, s0;
	[bflag:$0x2] =	sbarrier.arrive $0xFFFF  }
0xae: {  	[sflag:s0] =	ssyncadd.tile.s32 @!p0 $0x1;
	_ =	shalt  }
.Lfunc_end2:
_tile_overlayer_lowered:
.L_overlay_start_2:
0xaf: {  	(tag) =	ssettag $0x2  }
0xb0: {  	s0 =	rddreg [dreg:$0x0];
	s2 =	stileid.u32  }
0xb1: {  	s1 =	rddreg [dreg:$0x1];
	p0 =	sne.s32 s2, $0x0  }
0xb2: {  	s3 =	rddreg [dreg:$0x2];
	[bflag:$0x3] =	sbarrier.arrive $0xFFFF;
	s2 =	simm.s32 @!p0 $0x1C06  }
0xb3: {  	[timem:s3], [sflag:s2] =	dma.local @!p0 [hbm:s0], s1  }
0xb4: {  	s0 =	simm.s32 @!p0 $0x6  }
0xb5: {  	_ =	swait.ge @!p0 [sflag:s0], s1  }
0xb6: {  	s1 =	ssub.s32 @!p0 $0x0, s1;
	[sflag:s0] =	ssyncset.done @!p0 $0x0  }
0xb7: {  	[sflag:s0] =	ssyncadd.s32 @!p0 s1  }
0xb8: {  	[bflag:$0x3] =	sbarrier.arrive $0xFFFF  }
0xb9: {  	_ =	shalt  }

// kernel: kernel.7.cloned.1.call-start
scs
__scs_entry_jumppad:
0x0: {  	(pc) =	sbr.rel $0x88, $3  }
0x1: {  	(tag) =	ssettag $0x0;
	lr =	simm.s32 $0x1  }
0x2: {  	[smem:$0x3F99] =	sst lr;
	_ =	strace $0xD0000000  }
0x3: {  	_ = 	snop  }
0x4: {  	_ = 	snop  }
0x5: {  	_ = 	snop  }
0x6: {  	_ = 	snop  }
0x7: {  	_ = 	snop  }
__scs_overlays_trampoline_lowered:
0x8: {  	[smem:$0x3FA8] =	sst s0  }
0x9: {  	[smem:$0x3FA9] =	sst s1  }
0xa: {  	[smem:$0x3FAA] =	sst s2  }
0xb: {  	[smem:$0x3FAB] =	sst s3  }
0xc: {  	[smem:$0x3FAC] =	sst s4  }
0xd: {  	[smem:$0x3FAD] =	sst s5  }
0xe: {  	[smem:$0x3FAE] =	sst s6  }
0xf: {  	[smem:$0x3FAF] =	sst s7  }
0x10: {  	[smem:$0x3FB0] =	sst s8  }
0x11: {  	[smem:$0x3FB1] =	sst s9;
	s0 =	simm.s32 @!p0 $0x0  }
0x12: {  	s1 =	sld [smem:$0x3F97];
	s0 =	simm.s32 @p0 $0x1  }
0x13: {  	[smem:$0x3FB2] =	sst s0;
	s0 =	simm.s32 @!p1 $0x0  }
0x14: {  	s2 =	sld [smem:$0x3F96];
	s0 =	simm.s32 @p1 $0x1  }
0x15: {  	[smem:$0x3FB3] =	sst s0;
	s0 =	simm.s32 @!p2 $0x0  }
0x16: {  	s3 =	sld [smem:$0x3FDB];
	s0 =	simm.s32 @p2 $0x1  }
0x17: {  	s4 =	simm.s32 $0x1BF5;
	[smem:$0x3FB5] =	sst s0  }
0x18: {  	s0 =	sld [smem:$0x3F98];
	_ =	swait.ge [sflag:s4], $0x0  }
0x19: {  	s7 =	sld [smem:$0x3F99]  }
0x1a: {  	s8 =	sadd.s32 $0xFFFFE003, lr  }
0x1b: {  	s9 =	sadd.s32 $0xFFFFFEF7, lr;
	s5 =	simm.s32 $0xFFFFFFFF;
	p2 =	slt.u32 s8, $0xFFFFF086  }
0x1c: {  	p1 =	slt.u32 s9, $0xF7A;
	s5 =	simm.s32 @!p2 $0x0  }
0x1d: {  	s5 =	simm.s32 @p1 $0x1;
	p0 =	seq.s32 s7, s2  }
0x1e: {  	s7 =	smul.u32 @!p0 $0xF7A, s2;
	p2 =	seq.s32 @!p0 s5, $0x0  }
0x1f: {  	s9 =	smul.u32 $0xF7A, s1;
	s8 =	simm.s32 @!p0 $0x1BF5;
	p2 =	por !p2, p0  }
0x20: {  	[sflag:s8] =	ssyncset.s32 @!p0 $0xFFFFF086;
	s6 =	sadd.s32 @!p0 s3, s7;
	s7 =	simm.s32 @!p0 $0x108  }
0x21: {  	s3 =	sadd.s32 s3, s9;
	s6 =	sadd.s32 @!p0 $0x88, s6;
	s7 =	simm.s32 @p2 $0x1082  }
0x22: {  	[simem:s7], [sflag:s8] =	dma.local @!p0 [hbm:s6], $0xF7A  }
0x23: {  	s9 =	sor.u32 $0xD0000000, s2;
	s6 =	simm.s32 $0x108;
	_ =	swait.ge @!p0 [sflag:s8], $0x0  }
0x24: {  	s3 =	sadd.s32 $0x88, s3;
	s6 =	simm.s32 @!p1 $0x1082;
	[sflag:s4] =	ssyncset.s32 $0xFFFFF086  }
0x25: {  	[simem:s6], [sflag:s4] =	dma.local [hbm:s3], $0xF7A  }
0x26: {  	[smem:$0x3F99] =	sst s1;
	(tag) =	ssettag s2;
	_ =	strace s9  }
0x27: {  	s1 =	sld [smem:$0x3FA9]  }
0x28: {  	s2 =	sld [smem:$0x3FAA]  }
0x29: {  	s4 =	sld [smem:$0x3FAC]  }
0x2a: {  	p0 =	seq.s32 s5, $0x0;
	s5 =	sld [smem:$0x3FAD]  }
0x2b: {  	s6 =	sld [smem:$0x3FAE]  }
0x2c: {  	s7 =	sld [smem:$0x3FAF]  }
0x2d: {  	s3 =	simm.s32 $0x108;
	s8 =	sld [smem:$0x3FB0]  }
0x2e: {  	s3 =	simm.s32 @!p0 $0x1082;
	s9 =	sld [smem:$0x3FB1]  }
0x2f: {  	lr =	sadd.s32 s0, s3;
	s0 =	sld [smem:$0x3FA8]  }
0x30: {  	s3 =	sld [smem:$0x3FAB]  }
0x31: {  	[smem:$0x3FB4] =	sst s10  }
0x32: {  	s10 =	sld [smem:$0x3FB2];
	_ =	sdelay $0x3  }
0x33: {  	p0 =	seq.s32 s10, $0x1;
	s10 =	sld [smem:$0x3FB4];
	_ =	sdelay $0x3  }
0x34: {  	[smem:$0x3FB4] =	sst s10  }
0x35: {  	s10 =	sld [smem:$0x3FB3];
	_ =	sdelay $0x3  }
0x36: {  	p1 =	seq.s32 s10, $0x1;
	s10 =	sld [smem:$0x3FB4];
	_ =	sdelay $0x3  }
0x37: {  	[smem:$0x3FB4] =	sst s10  }
0x38: {  	s10 =	sld [smem:$0x3FB5]  }
0x39: {  	_ = 	snop;
	(pc) =	sbr.ind lr, $3  }
0x3a: {  	_ = 	snop  }
0x3b: {  	_ = 	snop  }
0x3c: {  	p2 =	seq.s32 s10, $0x1;
	s10 =	sld [smem:$0x3FB4]  }
0x3d: {  	_ =	shalt  }
0x3e: {  	_ =	shalt  }
0x3f: {  	_ =	shalt  }
0x40: {  	_ =	shalt  }
0x41: {  	_ =	shalt  }
0x42: {  	_ =	shalt  }
0x43: {  	_ =	shalt  }
0x44: {  	_ =	shalt  }
0x45: {  	_ =	shalt  }
0x46: {  	_ =	shalt  }
0x47: {  	_ =	shalt  }
0x48: {  	_ =	shalt  }
0x49: {  	_ =	shalt  }
0x4a: {  	_ =	shalt  }
0x4b: {  	_ =	shalt  }
0x4c: {  	_ =	shalt  }
0x4d: {  	_ =	shalt  }
0x4e: {  	_ =	shalt  }
0x4f: {  	_ =	shalt  }
0x50: {  	_ =	shalt  }
0x51: {  	_ =	shalt  }
0x52: {  	_ =	shalt  }
0x53: {  	_ =	shalt  }
0x54: {  	_ =	shalt  }
0x55: {  	_ =	shalt  }
0x56: {  	_ =	shalt  }
0x57: {  	_ =	shalt  }
0x58: {  	_ =	shalt  }
0x59: {  	_ =	shalt  }
0x5a: {  	_ =	shalt  }
0x5b: {  	_ =	shalt  }
0x5c: {  	_ =	shalt  }
0x5d: {  	_ =	shalt  }
0x5e: {  	_ =	shalt  }
0x5f: {  	_ =	shalt  }
0x60: {  	_ =	shalt  }
0x61: {  	_ =	shalt  }
0x62: {  	_ =	shalt  }
0x63: {  	_ =	shalt  }
0x64: {  	_ =	shalt  }
0x65: {  	_ =	shalt  }
0x66: {  	_ =	shalt  }
0x67: {  	_ =	shalt  }
0x68: {  	_ =	shalt  }
0x69: {  	_ =	shalt  }
0x6a: {  	_ =	shalt  }
0x6b: {  	_ =	shalt  }
0x6c: {  	_ =	shalt  }
0x6d: {  	_ =	shalt  }
0x6e: {  	_ =	shalt  }
0x6f: {  	_ =	shalt  }
0x70: {  	_ =	shalt  }
0x71: {  	_ =	shalt  }
0x72: {  	_ =	shalt  }
0x73: {  	_ =	shalt  }
0x74: {  	_ =	shalt  }
0x75: {  	_ =	shalt  }
0x76: {  	_ =	shalt  }
0x77: {  	_ =	shalt  }
0x78: {  	_ =	shalt  }
0x79: {  	_ =	shalt  }
0x7a: {  	_ =	shalt  }
0x7b: {  	_ =	shalt  }
0x7c: {  	_ =	shalt  }
0x7d: {  	_ =	shalt  }
0x7e: {  	_ =	shalt  }
0x7f: {  	_ =	shalt  }
0x80: {  	_ =	shalt  }
0x81: {  	_ =	shalt  }
0x82: {  	_ =	shalt  }
0x83: {  	_ =	shalt  }
0x84: {  	_ =	shalt  }
0x85: {  	_ =	shalt  }
0x86: {  	_ =	shalt  }
0x87: {  	_ =	shalt  }
.Lfunc_end0:
.L_simem_size_0:
called_computation_lowered:
.L_overlay_start_0:
0x88: {  	s2 =	sld [smem:$0x3FD9]  }
0x89: {  	s3 =	sld [smem:$0x3FFE];
	_ =	sdelay $0x1  }
0x8a: {  	s1 =	srdreg.scid  }
0x8b: {  	s0 =	sand.u32 $0x1, s1  }
0x8c: {  	s17 =	sshll.u32 s0, $0xA;
	s2 =	sadd.s32 s3, s2  }
0x8d: {  	s2 =	sadd.s32 s2, s17  }
0x8e: {  	[smem:$0x3FC0] =	sst s2  }
0x8f: {  	_ = 	snop  }
0x90: {  	(tm) =	ssettm $0x1  }
0x91: {  	s18 =	sld [smem:$0x3FFB];
	_ =	sdelay $0x3  }
0x92: {  	_ =	strace s18  }
0x93: {  	s2 =	sld [smem:$0x3FFC];
	_ =	sdelay $0x3  }
0x94: {  	_ =	strace s2  }
0x95: {  	s2 =	sld [smem:$0x3FFD];
	_ =	sdelay $0x3  }
0x96: {  	_ =	strace s2  }
0x97: {  	_ =	strace $0x8FFFFFFF  }
0x98: {  	s19 =	sld [smem:$0x3FDB];
	_ =	sdelay $0x1  }
0x99: {  	s20 =	simm.s32 $_scs_section_size  }
0x9a: {  	s4 =	simm.s32 $_size__tile_overlayer_lowered;
	s5 =	simm.s32 $_tile_overlayer_lowered  }
0x9b: {  	s6 =	simm.s32 $0x1BFF;
	s21 =	sshll.u32 s5, $0x1;
	s3 =	sadd.s32 s20, s19  }
0x9c: {  	s22 =	simm.s32 $0x0;
	s4 =	sshll.u32 s4, $0x1;
	s5 =	sadd.s32 s21, s3  }
0x9d: {  	[timem:s22], [sflag:s6] =	dma.local [hbm:s5], s4  }
0x9e: {  	_ =	swait.ge [sflag:s6], s4  }
0x9f: {  	s4 =	ssub.s32 $0x0, s4;
	[sflag:s6] =	ssyncset.done $0x0  }
0xa0: {  	[sflag:s6] =	ssyncadd.s32 s4;
	_ =	sdelay $0x1  }
0xa1: {  	s23 =	simm.s32 $0x1B8B  }
0xa2: {  	_ =	swait.ge [sflag:s23], $0x1  }
0xa3: {  	[sflag:s23] =	ssyncset.done $0x0  }
0xa4: {  	[sflag:s23] =	ssyncadd.s32 $0xFFFFFFFF  }
0xa5: {  	s4 =	sld [smem:$0x0]  }
0xa6: {  	s5 =	sand.u32 $0xFFFFFFFE, s1  }
0xa7: {  	p0 =	sne.s32 s1, s5  }
0xa8: {  	s5 =	sshll.u32 @p0 s5, $0xE  }
0xa9: {  	s5 =	sadd.s32 @p0 $0x11B8D, s5;
	s6 =	sshll.u32 @p0 s4, $0x11  }
0xaa: {  	s5 =	sor.u32 @p0 s6, s5  }
0xab: {  	[sflag:s5] =	ssyncadd.remote.s32 @p0 $0x1;
	_ =	sdelay $0x1  }
0xac: {  	s5 =	simm.s32 @p0 $0x1B8D  }
0xad: {  	_ =	swait.eq @p0 [sflag:s5], $0x1  }
0xae: {  	[sflag:s5] =	ssyncadd.s32 @p0 $0xFFFFFFFF  }
0xaf: {  	s6 =	sshll.u32 @!p0 s1, $0xE  }
0xb0: {  	s6 =	sor.u32 @!p0 $0x4000, s6;
	s5 =	simm.s32 @!p0 $0x1B8D  }
0xb1: {  	s4 =	sshll.u32 @!p0 s4, $0x11;
	s6 =	sadd.s32 @!p0 $0x11B8D, s6;
	_ =	swait.eq @!p0 [sflag:s5], $0x1  }
0xb2: {  	s4 =	sor.u32 @!p0 s4, s6;
	[sflag:s5] =	ssyncadd.s32 @!p0 $0xFFFFFFFF  }
0xb3: {  	s25 =	simm.s32 $0x1B8E;
	s24 =	sld [smem:$0x3FFE];
	[sflag:s4] =	ssyncadd.remote.s32 @!p0 $0x1  }
0xb4: {  	s26 =	simm.s32 $execute0_lowered;
	[smem:$0x3FD2] =	sst s25  }
0xb5: {  	s5 =	sshll.u32 s26, $0x1;
	_ =	strace $0x80000049;
	[dreg:$0x1] =	wrdreg $0xFFFFFFFF  }
0xb6: {  	s28 =	simm.s32 $_size_execute0_lowered;
	s3 =	sadd.s32 s3, s5;
	[dreg:$0x0] =	wrdreg $0x0  }
0xb7: {  	s5 =	sshll.u32 s28, $0x1;
	[dreg:$0x2] =	wrdreg s3  }
0xb8: {  	[dreg:$0x3] =	wrdreg s5  }
0xb9: {  	[dreg:$0x4] =	wrdreg $0xC0  }
0xba: {  	_ =	task [dreg:s22], $0x5FFFF  }
0xbb: {  	[dreg:$0x1] =	wrdreg $0xFFFFFFFF  }
0xbc: {  	[dreg:$0x0] =	wrdreg $0x60  }
0xbd: {  	[dreg:$0x2] =	wrdreg s24  }
0xbe: {  	[dreg:$0x3] =	wrdreg $0x30000  }
0xbf: {  	[dreg:$0x4] =	wrdreg $0x9  }
0xc0: {  	_ =	task.clear_ibuf [dreg:s22], $0x5FFFF;
	_ =	strace $0x90000049  }
0xc1: {  	s29 =	simm.s32 $0x9;
	_ =	strace $0x8000004B  }
0xc2: {  	_ =	swait.ge [sflag:s29], $0x1  }
0xc3: {  	[sflag:s29] =	ssyncadd.s32 $0xFFFFFFFF  }
0xc4: {  	_ =	strace $0x9000004B  }
0xc5: {  	_ =	sfence  }
0xc6: {  	s30 =	sld [smem:$0x0];
	_ =	sdelay $0x2  }
0xc7: {  	s31 =	sshll.u32 s1, $0xD;
	s1 =	sshrl.u32 s1, $0x2  }
0xc8: {  	s4 =	sand.u32 $0x4000, s31;
	s1 =	sadd.s32 s1, s30  }
0xc9: {  	s0 =	sor.u32 s4, s0;
	s1 =	sshll.u32 s1, $0x11  }
0xca: {  	s0 =	sor.u32 s1, s0  }
0xcb: {  	s0 =	sadd.s32 $0x8F2B, s0  }
0xcc: {  	[sflag:s0] =	ssyncadd.remote.s32 $0x1  }
0xcd: {  	_ =	sfence.sel $0xFFFF  }
0xce: {  	[dreg:$0x0] =	wrdreg $0xFFFFFFFF;
	(pc) =	sbr.abs _section_cstart, $3  }
0xcf: {  	[dreg:$0x1] =	wrdreg $0xFFFFFFFF  }
0xd0: {  	_ =	task.clear_ibuf [dreg:s22], $0x2FFFF;
	_ =	strace $0x9FFFFFFF  }
0xd1: {  	(tm) =	ssettm $0x7FFFFFFF  }
tec
execute0_lowered:
.L_overlay_start_1:
0x0: {  	(tag) =	ssettag $0x1  }
0x1: {  	s5 =	rddreg [dreg:$0x0]  }
0x2: {  	s0 =	srdreg.scid;
	s2 =	rddreg [dreg:$0x1]  }
0x3: {  	s3 =	simm.s32 $0x0;
	s4 =	sand.u32 $0x1, s0;
	s0 =	stileid.u32  }
0x4: {  	s13 =	simm.s32 $0x80;
	s14 =	simm.s32 $0x0;
	s7 =	smul.u32 $0x2780, s0  }
0x5: {  	[smem:$0x7FF] =	sst s3;
	s1 =	sshll.u32 s4, $0x4;
	s8 =	smul.u32 $0x27800, s4  }
0x6: {  	s10 =	ssub.s32 $0x2, s4;
	s4 =	sadd.s32 $0x55A00, s5;
	s1 =	sor.u32 s0, s1  }
0x7: {  	s31 =	sshll.u32 s0, $0x6;
	s11 =	sshrl.u32 s10, $0x1;
	s6 =	smul.u32 $0x500, s1  }
0x8: {  	s1 =	rddreg [dreg:$0x2];
	_ =	strace $0x8000004A;
	s9 =	sshrl.u32 s7, $0x3  }
0x9: {  	s8 =	sadd.s32 s7, s8;
	s10 =	ssub.s32 s10, s11;
	s12 =	sadd.s32 s7, s2  }
0xa: {  	s11 =	sor.u32 $0x1C01, s31;
	s9 =	sadd.s32 s9, s5;
	s8 =	sshrl.u32 s8, $0x3  }
0xb: {  	s12 =	sshrl.u32 s12, $0x3;
	s6 =	sadd.s32 s6, s5;
	s8 =	sadd.s32 s8, s5  }
0xc: {  	s5 =	sadd.s32 $0xB600, s6;
	s6 =	sadd.s32 $0x50A00, s9;
	s7 =	sadd.s32 $0x55C00, s8  }
0xd: {  	s8 =	smax.u32 s10, $0x1;
	s9 =	simm.s32 $0x1;
	s10 =	simm.s32 $0x2800  }
.LBB2_1:
0xe: {  	[tilespmem:s3], [sflag:$0x1] =	stream.linear.gather [hbm4b:s5+s3], $0x2800, $0x38;
	[tilespmem:$0x5780] =	vst v63  }
0xf: {  	_ =	swait.ge [sflag:s9], $0x2800  }
0x10: {  	[sflag:s9] =	ssyncset.done $0x0  }
0x11: {  	[sflag:s9] =	ssyncadd.s32 $0xFFFFD800  }
0x12: {  	[tilespmem:s10], [sflag:$0x1] =	stream.linear.gather [hbm4b:s4+s3], $0x800, $0x38;
	[tilespmem:$0x5780] =	vst v63  }
0x13: {  	_ =	swait.ge [sflag:s9], $0x800  }
0x14: {  	[sflag:s9] =	ssyncset.done $0x0  }
0x15: {  	[sflag:s9] =	ssyncadd.s32 $0xFFFFF800  }
0x16: {  	[spmem:s12], [sflag:s11] =	dma.local [hbm:s6], $0x4F0  }
0x17: {  	_ =	swait.ge [sflag:s9], $0x4F0  }
0x18: {  	[sflag:s9] =	ssyncset.done $0x0  }
0x19: {  	[sflag:s9] =	ssyncadd.s32 $0xFFFFFB10  }
0x1a: {  	s15 =	simm.s32 $0x0;
	[bflag:$0x0] =	sbarrier.arrive $0xFFFF  }
0x1b: {  	[spmem:s2] =	stream.indirect.scatter.add.f32 [tilespmem:s10], [sflag:$0x1], $0x10, s15, s13, $0xb8;
	[tilespmem:$0x5780] =	vst v63  }
0x1c: {  	_ =	swait.ge [sflag:s9], $0x800  }
0x1d: {  	s15 =	simm.s32 $0x200;
	[sflag:s9] =	ssyncset.done $0x0  }
.LBB2_2:
0x1e: {  	s16 =	sshra.s32 s15, $0x2;
	[sflag:s9] =	ssyncadd.s32 $0xFFFFF800;
	p0 =	sne.s32 s15, $0x9E00  }
0x1f: {  	[spmem:s2] =	stream.indirect.scatter.add.f32 [tilespmem:s10], [sflag:$0x1], $0x10, s16, s13, $0xb8;
	[tilespmem:$0x5780] =	vst v63  }
.Ltmp0:
0x20: {  	_ = 	snop;
	(pc) =	sbr.rel @p0 .LBB2_2-.Ltmp0, $4  }
0x21: {  	_ = 	snop  }
0x22: {  	s15 =	sadd.s32 $0x200, s15  }
0x23: {  	_ =	swait.ge [sflag:s9], $0x800  }
0x24: {  	[sflag:s9] =	ssyncset.done $0x0  }
0x25: {  	s14 =	sadd.s32 $0x1, s14  }
0x26: {  	[sflag:s9] =	ssyncadd.s32 $0xFFFFF800;
	p0 =	sne.s32 s14, s8  }
.Ltmp1:
0x27: {  	[bflag:$0x0] =	sbarrier.arrive $0xFFFF;
	(pc) =	sbr.rel @p0 .LBB2_1-.Ltmp1, $4  }
0x28: {  	[hbm:s7], [sflag:s11] =	dma.local [spmem:s12], $0x4F0  }
0x29: {  	_ =	swait.ge [sflag:s9], $0x4F0  }
0x2a: {  	[sflag:s9] =	ssyncset.done $0x0  }
0x2b: {  	[sflag:s9] =	ssyncadd.s32 $0xFFFFFB10  }
0x2c: {  	_ =	sfence.sel $0x180000  }
0x2d: {  	[bflag:$0x0] =	sbarrier.arrive $0xFFFF  }
0x2e: {  	p0 =	sne.s32 s0, $0x0;
	_ =	strace $0x9000004A  }
0x2f: {  	s0 =	sadd.s32 @!p0 $0x100000, s1;
	[bflag:$0x2] =	sbarrier.arrive $0xFFFF  }
0x30: {  	[sflag:s0] =	ssyncadd.tile.s32 @!p0 $0x1;
	_ =	shalt  }
.Lfunc_end2:
_tile_overlayer_lowered:
.L_overlay_start_2:
0x31: {  	(tag) =	ssettag $0x2  }
0x32: {  	s0 =	rddreg [dreg:$0x0];
	s2 =	stileid.u32  }
0x33: {  	s1 =	rddreg [dreg:$0x1];
	p0 =	sne.s32 s2, $0x0  }
0x34: {  	s3 =	rddreg [dreg:$0x2];
	[bflag:$0x3] =	sbarrier.arrive $0xFFFF;
	s2 =	simm.s32 @!p0 $0x1C01  }
0x35: {  	[timem:s3], [sflag:s2] =	dma.local @!p0 [hbm:s0], s1  }
0x36: {  	s0 =	simm.s32 @!p0 $0x1  }
0x37: {  	_ =	swait.ge @!p0 [sflag:s0], s1  }
0x38: {  	s1 =	ssub.s32 @!p0 $0x0, s1;
	[sflag:s0] =	ssyncset.done @!p0 $0x0  }
0x39: {  	[sflag:s0] =	ssyncadd.s32 @!p0 s1  }
0x3a: {  	[bflag:$0x3] =	sbarrier.arrive $0xFFFF  }
0x3b: {  	_ =	shalt  }

</sc_bundles>
